<compile_context>
chip_gen: v7x
topology: tpu7x:2x2x1
jax: 0.10.2.dev20260603
libtpu: 0.0.44.dev20260713+nightly
codegen_flags: <defaults>
</compile_context>

<pallas_src>
import functools

import jax
import jax.numpy as jnp
from jax import lax
from jax.experimental import pallas as pl
from jax.experimental.pallas import tpu as pltpu
from jax.experimental.pallas import tpu_sc as plsc

_K = 8192
_D = 64
_BETA = 0.25
_N = 18432

_ROWS = 512
_KCHUNK = 1024
_NT = _N // _ROWS
_NJ = _K // _KCHUNK
_NV = _KCHUNK // 128


def _argmin_body(x_ref, cb_ref, x2_ref, c2_ref, idx_ref, loss_ref):
    i = pl.program_id(0)
    x = x_ref[...]
    xm2 = (x * (-2.0)).astype(jnp.bfloat16)
    x2 = x2_ref[...]

    runmin = jnp.full((_ROWS, 128), jnp.inf, dtype=jnp.float32)
    runc = jnp.zeros((_ROWS, 128), dtype=jnp.int32)
    for j in range(_NJ):
        c = cb_ref[pl.ds(j * _KCHUNK, _KCHUNK), :]
        d = lax.dot_general(xm2, c, (((1,), (1,)), ((), ())),
                            preferred_element_type=jnp.float32)
        s = (x2 + d) + c2_ref[:, pl.ds(j * _KCHUNK, _KCHUNK)]
        for v in range(_NV):
            sv = lax.slice(s, (0, v * 128), (_ROWS, v * 128 + 128))
            upd = sv < runmin
            runmin = jnp.where(upd, sv, runmin)
            runc = jnp.where(upd, j * _NV + v, runc)

    rowmin = jnp.min(runmin, axis=1, keepdims=True)
    lane = lax.broadcasted_iota(jnp.int32, (_ROWS, 128), 1)
    cand = runc * 128 + lane
    sel = jnp.where(runmin == rowmin, cand, jnp.int32(2**31 - 1))
    idx = jnp.min(sel, axis=1)
    idx_ref[...] = idx.reshape(1, 1, _ROWS)

    @pl.when(i == 0)
    def _init():
        loss_ref[...] = jnp.zeros_like(loss_ref)

    loss_ref[...] += jnp.sum(rowmin).reshape(1, 1)


_argmin_call = pl.pallas_call(
    _argmin_body,
    grid=(_NT,),
    in_specs=[
        pl.BlockSpec((_ROWS, _D), lambda i: (i, 0)),
        pl.BlockSpec((_K, _D), lambda i: (0, 0)),
        pl.BlockSpec((_ROWS, 1), lambda i: (i, 0)),
        pl.BlockSpec((1, _K), lambda i: (0, 0)),
    ],
    out_specs=[
        pl.BlockSpec((1, 1, _ROWS), lambda i: (i, 0, 0)),
        pl.BlockSpec((1, 1), lambda i: (0, 0)),
    ],
    out_shape=[
        jax.ShapeDtypeStruct((_NT, 1, _ROWS), jnp.int32),
        jax.ShapeDtypeStruct((1, 1), jnp.float32),
    ],
    compiler_params=pltpu.CompilerParams(
        dimension_semantics=("arbitrary",),
    ),
)


_NCORES = 2
_NSUB = 16
_NWORKERS = _NCORES * _NSUB
_BPW = _N // _NWORKERS


@functools.cache
def _make_sc_gather():
    @functools.partial(
        pl.kernel,
        mesh=plsc.VectorSubcoreMesh(core_axis_name="c", subcore_axis_name="s"),
        out_type=jax.ShapeDtypeStruct((_N, _D), jnp.float32),
        scratch_types=[
            pltpu.VMEM((_BPW,), jnp.int32),
            pltpu.VMEM((_BPW, _D), jnp.float32),
            pltpu.SemaphoreType.DMA,
        ],
        compiler_params=pltpu.CompilerParams(use_tc_tiling_on_sc=False),
    )
    def _sc_gather(table_hbm, idx_hbm, out_hbm, idx_v, rows_v, sem):
        wid = lax.axis_index("s") * _NCORES + lax.axis_index("c")
        base = wid * _BPW
        pltpu.sync_copy(idx_hbm.at[pl.ds(base, _BPW)], idx_v)
        pltpu.async_copy(table_hbm.at[idx_v], rows_v, sem).wait()
        pltpu.sync_copy(rows_v, out_hbm.at[pl.ds(base, _BPW)])

    return _sc_gather


def kernel(z, codebook):
    flat = z.reshape(-1, _D)
    x2 = jnp.sum(flat ** 2, axis=1, keepdims=True)
    c2 = jnp.sum(codebook ** 2, axis=1)
    idx3, loss_sum = _argmin_call(flat, codebook, x2, c2.reshape(1, _K))
    indices = idx3.reshape(z.shape[:-1])
    quantized = _make_sc_gather()(codebook, idx3.reshape(-1))
    quantized_st = quantized.reshape(z.shape)
    loss = _BETA * loss_sum[0, 0] / (_N * _D)
    return quantized_st, loss, indices

# --- scband reference (transcript-rebuilt; emitter-appended) ---
"""Pipeline reference for scband-vector-quantizer-26551487824693 (READ-ONLY COPY).

The authoritative reference and input builder live on the scoring server;
editing this copy changes nothing except your own understanding.
"""

import jax, jax.numpy as jnp
import numpy as np

K = 8192
D = 64
BETA = 0.25

def setup_inputs(seed: int = 0) -> dict:
    key = jax.random.key(seed)
    k1, k2 = jax.random.split(key)
    z = jax.random.normal(k1, (32, 576, D), dtype=jnp.float32)
    codebook = jax.random.normal(k2, (K, D), dtype=jnp.float32)
    return {"z": z, "codebook": codebook}

def reference(z, codebook):
    # Flatten input to (N, D)
    flat = z.reshape(-1, D)
    # Squared Euclidean distances to each code: ||x||^2 - 2 x.c + ||c||^2
    d2 = (jnp.sum(flat ** 2, axis=1, keepdims=True)
          - 2.0 * flat @ codebook.T
          + jnp.sum(codebook ** 2, axis=1)[None, :])
    # Nearest code index per input vector
    indices = jnp.argmin(d2, axis=1)
    # Gather quantized vectors (embedding lookup)
    quantized = jnp.take(codebook, indices, axis=0).reshape(z.shape)
    # Commitment loss (ema=True: codebook itself updated via EMA, not gradients)
    commitment_loss = jnp.mean((jax.lax.stop_gradient(quantized) - z) ** 2)
    loss = BETA * commitment_loss
    # Straight-through estimator
    quantized_st = z + jax.lax.stop_gradient(quantized - z)
    return quantized_st, loss, indices.reshape(z.shape[:-1])

if __name__ == "__main__":
    import jax
    _d = setup_inputs()
    print(jax.jit(kernel)(*tuple(_d.values())))

</pallas_src>

<mosaic_0001>
#map = affine_map<(d0, d1) -> (0, 0)>
#map1 = affine_map<(d0, d1) -> (0)>
module attributes {stable_mosaic.version = 14 : i64} {
  func.func @_sc_gather(%arg0: i32, %arg1: i32, %arg2: memref<8192x64xf32, #tpu.memory_space<hbm>>, %arg3: memref<18432xi32, #tpu.memory_space<hbm>>, %arg4: memref<18432x64xf32, #tpu.memory_space<hbm>>, %arg5: memref<576xi32, #tpu.memory_space<vmem>>, %arg6: memref<576x64xf32, #tpu.memory_space<vmem>>, %arg7: memref<!tpu.dma_semaphore, #tpu.memory_space<semaphore_mem>>) attributes {dimension_semantics = [#tpu.dimension_semantics<core_parallel>, #tpu.dimension_semantics<subcore_parallel>], iteration_bounds = array<i64: 2, 16>, scalar_prefetch = 0 : i64, scratch_operands = 3 : i64, tpu.core_type = #tpu.core_type<sc_vector_subcore>, window_params = [{transform_indices = #map}, {transform_indices = #map1}, {transform_indices = #map}]} {
    %mul3A = arith.constant 2 : i32
    %mul3A_0 = arith.muli %arg1, %mul3A : i32
    %add3A = arith.addi %mul3A_0, %arg0 : i32
    %mul3A_1 = arith.constant 576 : i32
    %mul3A_2 = arith.muli %add3A, %mul3A_1 : i32
    "tpu.region"() ({
      %run_scoped3A = tpu.sem_alloc : memref<!tpu.dma_semaphore, #tpu.memory_space<semaphore_mem>>
      %dma_start3A_7 = tpu.memref_slice %arg3[%mul3A_2] : memref<18432xi32, #tpu.memory_space<hbm>> -> memref<576xi32, #tpu.memory_space<hbm>>
      %dma_start3A_8 = tpu.memref_slice %arg3[%mul3A_2] : memref<18432xi32, #tpu.memory_space<hbm>> -> memref<576xi32, #tpu.memory_space<hbm>>
      tpu.enqueue_dma source(%dma_start3A_8 : memref<576xi32, #tpu.memory_space<hbm>>) target(%arg5 : memref<576xi32, #tpu.memory_space<vmem>>) target_semaphore(%run_scoped3A : memref<!tpu.dma_semaphore, #tpu.memory_space<semaphore_mem>>)
      %dma_wait3A_9 = tpu.memref_slice %arg3[%mul3A_2] : memref<18432xi32, #tpu.memory_space<hbm>> -> memref<576xi32, #tpu.memory_space<hbm>>
      %dma_wait3A_10 = tpu.memref_slice %arg3[%mul3A_2] : memref<18432xi32, #tpu.memory_space<hbm>> -> memref<576xi32, #tpu.memory_space<hbm>>
      tpu.wait_dma2 semaphore(%run_scoped3A : memref<!tpu.dma_semaphore, #tpu.memory_space<semaphore_mem>>) src(%dma_wait3A_10 : memref<576xi32, #tpu.memory_space<hbm>>) dst(%arg5 : memref<576xi32, #tpu.memory_space<vmem>>)
      tpu.yield
    }) : () -> ()
    %dma_start3A = arith.constant 0 : i32
    %dma_start3A_3 = arith.constant 0 : i32
    %dma_start3A_4 = tpu.memref_slice %arg2[%dma_start3A, %dma_start3A_3] : memref<8192x64xf32, #tpu.memory_space<hbm>> -> memref<8192x64xf32, #tpu.memory_space<hbm>>
    tpu.enqueue_indirect_dma source(%dma_start3A_4 : memref<8192x64xf32, #tpu.memory_space<hbm>>) target(%arg6 : memref<576x64xf32, #tpu.memory_space<vmem>>) offsets(%arg5 : memref<576xi32, #tpu.memory_space<vmem>>) semaphore(%arg7 : memref<!tpu.dma_semaphore, #tpu.memory_space<semaphore_mem>>)
    %dma_wait3A = arith.constant 0 : i32
    %dma_wait3A_5 = arith.constant 0 : i32
    %dma_wait3A_6 = tpu.memref_slice %arg2[%dma_wait3A, %dma_wait3A_5] : memref<8192x64xf32, #tpu.memory_space<hbm>> -> memref<8192x64xf32, #tpu.memory_space<hbm>>
    tpu.wait_indirect_dma semaphore(%arg7 : memref<!tpu.dma_semaphore, #tpu.memory_space<semaphore_mem>>) src(%dma_wait3A_6 : memref<8192x64xf32, #tpu.memory_space<hbm>>) dst(%arg6 : memref<576x64xf32, #tpu.memory_space<vmem>>)
    "tpu.region"() ({
      %run_scoped3A = tpu.sem_alloc : memref<!tpu.dma_semaphore, #tpu.memory_space<semaphore_mem>>
      %dma_start3A_7 = arith.constant 0 : i32
      %dma_start3A_8 = tpu.memref_slice %arg4[%mul3A_2, %dma_start3A_7] : memref<18432x64xf32, #tpu.memory_space<hbm>> -> memref<576x64xf32, #tpu.memory_space<hbm>>
      %dma_start3A_9 = arith.constant 0 : i32
      %dma_start3A_10 = tpu.memref_slice %arg4[%mul3A_2, %dma_start3A_9] : memref<18432x64xf32, #tpu.memory_space<hbm>> -> memref<576x64xf32, #tpu.memory_space<hbm>>
      tpu.enqueue_dma source(%arg6 : memref<576x64xf32, #tpu.memory_space<vmem>>) target(%dma_start3A_10 : memref<576x64xf32, #tpu.memory_space<hbm>>) target_semaphore(%run_scoped3A : memref<!tpu.dma_semaphore, #tpu.memory_space<semaphore_mem>>)
      %dma_wait3A_11 = arith.constant 0 : i32
      %dma_wait3A_12 = tpu.memref_slice %arg4[%mul3A_2, %dma_wait3A_11] : memref<18432x64xf32, #tpu.memory_space<hbm>> -> memref<576x64xf32, #tpu.memory_space<hbm>>
      %dma_wait3A_13 = arith.constant 0 : i32
      %dma_wait3A_14 = tpu.memref_slice %arg4[%mul3A_2, %dma_wait3A_13] : memref<18432x64xf32, #tpu.memory_space<hbm>> -> memref<576x64xf32, #tpu.memory_space<hbm>>
      tpu.wait_dma2 semaphore(%run_scoped3A : memref<!tpu.dma_semaphore, #tpu.memory_space<semaphore_mem>>) src(%arg6 : memref<576x64xf32, #tpu.memory_space<vmem>>) dst(%dma_wait3A_14 : memref<576x64xf32, #tpu.memory_space<hbm>>)
      tpu.yield
    }) : () -> ()
    return
  }
}

module attributes {stable_mosaic.version = 14 : i64} {
  func.func @_argmin_body(%arg0: i32, %arg1: memref<512x64xf32, #tpu.memory_space<vmem>>, %arg2: memref<8192x64xf32, #tpu.memory_space<vmem>>, %arg3: memref<512x1xf32, #tpu.memory_space<vmem>>, %arg4: memref<1x8192xf32, #tpu.memory_space<vmem>>, %arg5: memref<1x1x512xi32, #tpu.memory_space<vmem>>, %arg6: memref<1x1xf32, #tpu.memory_space<vmem>>) attributes {dimension_semantics = [#tpu.dimension_semantics<arbitrary>], iteration_bounds = array<i64: 36>, scalar_prefetch = 0 : i64, scratch_operands = 0 : i64, tpu.core_type = #tpu.core_type<tc>, window_params = [{transform_indices = @transform_0, window_bounds = array<i64: 512, 64>}, {pipeline_mode = #tpu.pipeline_mode<synchronous>, transform_indices = @transform_1, window_bounds = array<i64: 8192, 64>}, {transform_indices = @transform_2, window_bounds = array<i64: 512, 1>}, {pipeline_mode = #tpu.pipeline_mode<synchronous>, transform_indices = @transform_3, window_bounds = array<i64: 1, 8192>}, {transform_indices = @transform_4, window_bounds = array<i64: 1, 1, 512>}, {pipeline_mode = #tpu.pipeline_mode<synchronous>, transform_indices = @transform_5, window_bounds = array<i64: 1, 1>}]} {
    %get3A = arith.constant 0 : index
    %get3A_0 = arith.constant 0 : index
    %get3A_1 = vector.load %arg1[%get3A, %get3A_0] : memref<512x64xf32, #tpu.memory_space<vmem>>, vector<512x64xf32>
    %mul3A = arith.constant -2.000000e+00 : f32
    %mul3A_2 = vector.broadcast %mul3A : f32 to vector<512x64xf32>
    %mul3A_3 = arith.mulf %get3A_1, %mul3A_2 : vector<512x64xf32>
    %convert_element_type3A = arith.truncf %mul3A_3 : vector<512x64xf32> to vector<512x64xbf16>
    %get3A_4 = arith.constant 0 : index
    %get3A_5 = arith.constant 0 : index
    %get3A_6 = vector.load %arg3[%get3A_4, %get3A_5] : memref<512x1xf32, #tpu.memory_space<vmem>>, vector<512x1xf32>
    %broadcast_in_dim3A = arith.constant 0x7F800000 : f32
    %broadcast_in_dim3A_7 = vector.broadcast %broadcast_in_dim3A : f32 to vector<512x128xf32>
    %broadcast_in_dim3A_8 = arith.constant 0 : i32
    %broadcast_in_dim3A_9 = vector.broadcast %broadcast_in_dim3A_8 : i32 to vector<512x128xi32>
    %get3A_10 = arith.constant 0 : index
    %get3A_11 = arith.constant 0 : index
    %get3A_12 = vector.load %arg2[%get3A_10, %get3A_11] : memref<8192x64xf32, #tpu.memory_space<vmem>>, vector<1024x64xf32>
    %dot_general3A = arith.constant dense<0.000000e+00> : vector<512x1024xf32>
    %dot_general3A_13 = tpu.matmul %convert_element_type3A, %get3A_12, %dot_general3A {dimension_numbers = #tpu.dot_dimension_numbers<[1], [1], [0], [0], [0, 0, 1, 0], [], []>, transpose_lhs_hint = false} : vector<512x64xbf16>, vector<1024x64xf32>, vector<512x1024xf32> -> vector<512x1024xf32>
    %add3A = vector.broadcast %get3A_6 : vector<512x1xf32> to vector<512x1024xf32>
    %add3A_14 = arith.addf %add3A, %dot_general3A_13 : vector<512x1024xf32>
    %get3A_15 = arith.constant 0 : index
    %get3A_16 = arith.constant 0 : index
    %get3A_17 = vector.load %arg4[%get3A_15, %get3A_16] : memref<1x8192xf32, #tpu.memory_space<vmem>>, vector<1x1024xf32>
    %add3A_18 = vector.broadcast %get3A_17 : vector<1x1024xf32> to vector<512x1024xf32>
    %add3A_19 = arith.addf %add3A_14, %add3A_18 : vector<512x1024xf32>
    %slice3A = vector.extract_strided_slice %add3A_19 {offsets = [0, 0], sizes = [512, 128], strides = [1, 1]} : vector<512x1024xf32> to vector<512x128xf32>
    %lt3A = arith.cmpf olt, %slice3A, %broadcast_in_dim3A_7 : vector<512x128xf32>
    %select_n3A = arith.select %lt3A, %slice3A, %broadcast_in_dim3A_7 : vector<512x128xi1>, vector<512x128xf32>
    %jit3A = arith.constant 0 : i32
    %broadcast_in_dim3A_20 = vector.broadcast %jit3A : i32 to vector<512x128xi32>
    %select_n3A_21 = arith.select %lt3A, %broadcast_in_dim3A_20, %broadcast_in_dim3A_9 : vector<512x128xi1>, vector<512x128xi32>
    %slice3A_22 = vector.extract_strided_slice %add3A_19 {offsets = [0, 128], sizes = [512, 128], strides = [1, 1]} : vector<512x1024xf32> to vector<512x128xf32>
    %lt3A_23 = arith.cmpf olt, %slice3A_22, %select_n3A : vector<512x128xf32>
    %select_n3A_24 = arith.select %lt3A_23, %slice3A_22, %select_n3A : vector<512x128xi1>, vector<512x128xf32>
    %jit3A_25 = arith.constant 1 : i32
    %broadcast_in_dim3A_26 = vector.broadcast %jit3A_25 : i32 to vector<512x128xi32>
    %select_n3A_27 = arith.select %lt3A_23, %broadcast_in_dim3A_26, %select_n3A_21 : vector<512x128xi1>, vector<512x128xi32>
    %slice3A_28 = vector.extract_strided_slice %add3A_19 {offsets = [0, 256], sizes = [512, 128], strides = [1, 1]} : vector<512x1024xf32> to vector<512x128xf32>
    %lt3A_29 = arith.cmpf olt, %slice3A_28, %select_n3A_24 : vector<512x128xf32>
    %select_n3A_30 = arith.select %lt3A_29, %slice3A_28, %select_n3A_24 : vector<512x128xi1>, vector<512x128xf32>
    %jit3A_31 = arith.constant 2 : i32
    %broadcast_in_dim3A_32 = vector.broadcast %jit3A_31 : i32 to vector<512x128xi32>
    %select_n3A_33 = arith.select %lt3A_29, %broadcast_in_dim3A_32, %select_n3A_27 : vector<512x128xi1>, vector<512x128xi32>
    %slice3A_34 = vector.extract_strided_slice %add3A_19 {offsets = [0, 384], sizes = [512, 128], strides = [1, 1]} : vector<512x1024xf32> to vector<512x128xf32>
    %lt3A_35 = arith.cmpf olt, %slice3A_34, %select_n3A_30 : vector<512x128xf32>
    %select_n3A_36 = arith.select %lt3A_35, %slice3A_34, %select_n3A_30 : vector<512x128xi1>, vector<512x128xf32>
    %jit3A_37 = arith.constant 3 : i32
    %broadcast_in_dim3A_38 = vector.broadcast %jit3A_37 : i32 to vector<512x128xi32>
    %select_n3A_39 = arith.select %lt3A_35, %broadcast_in_dim3A_38, %select_n3A_33 : vector<512x128xi1>, vector<512x128xi32>
    %slice3A_40 = vector.extract_strided_slice %add3A_19 {offsets = [0, 512], sizes = [512, 128], strides = [1, 1]} : vector<512x1024xf32> to vector<512x128xf32>
    %lt3A_41 = arith.cmpf olt, %slice3A_40, %select_n3A_36 : vector<512x128xf32>
    %select_n3A_42 = arith.select %lt3A_41, %slice3A_40, %select_n3A_36 : vector<512x128xi1>, vector<512x128xf32>
    %jit3A_43 = arith.constant 4 : i32
    %broadcast_in_dim3A_44 = vector.broadcast %jit3A_43 : i32 to vector<512x128xi32>
    %select_n3A_45 = arith.select %lt3A_41, %broadcast_in_dim3A_44, %select_n3A_39 : vector<512x128xi1>, vector<512x128xi32>
    %slice3A_46 = vector.extract_strided_slice %add3A_19 {offsets = [0, 640], sizes = [512, 128], strides = [1, 1]} : vector<512x1024xf32> to vector<512x128xf32>
    %lt3A_47 = arith.cmpf olt, %slice3A_46, %select_n3A_42 : vector<512x128xf32>
    %select_n3A_48 = arith.select %lt3A_47, %slice3A_46, %select_n3A_42 : vector<512x128xi1>, vector<512x128xf32>
    %jit3A_49 = arith.constant 5 : i32
    %broadcast_in_dim3A_50 = vector.broadcast %jit3A_49 : i32 to vector<512x128xi32>
    %select_n3A_51 = arith.select %lt3A_47, %broadcast_in_dim3A_50, %select_n3A_45 : vector<512x128xi1>, vector<512x128xi32>
    %slice3A_52 = vector.extract_strided_slice %add3A_19 {offsets = [0, 768], sizes = [512, 128], strides = [1, 1]} : vector<512x1024xf32> to vector<512x128xf32>
    %lt3A_53 = arith.cmpf olt, %slice3A_52, %select_n3A_48 : vector<512x128xf32>
    %select_n3A_54 = arith.select %lt3A_53, %slice3A_52, %select_n3A_48 : vector<512x128xi1>, vector<512x128xf32>
    %jit3A_55 = arith.constant 6 : i32
    %broadcast_in_dim3A_56 = vector.broadcast %jit3A_55 : i32 to vector<512x128xi32>
    %select_n3A_57 = arith.select %lt3A_53, %broadcast_in_dim3A_56, %select_n3A_51 : vector<512x128xi1>, vector<512x128xi32>
    %slice3A_58 = vector.extract_strided_slice %add3A_19 {offsets = [0, 896], sizes = [512, 128], strides = [1, 1]} : vector<512x1024xf32> to vector<512x128xf32>
    %lt3A_59 = arith.cmpf olt, %slice3A_58, %select_n3A_54 : vector<512x128xf32>
    %select_n3A_60 = arith.select %lt3A_59, %slice3A_58, %select_n3A_54 : vector<512x128xi1>, vector<512x128xf32>
    %jit3A_61 = arith.constant 7 : i32
    %broadcast_in_dim3A_62 = vector.broadcast %jit3A_61 : i32 to vector<512x128xi32>
    %select_n3A_63 = arith.select %lt3A_59, %broadcast_in_dim3A_62, %select_n3A_57 : vector<512x128xi1>, vector<512x128xi32>
    %get3A_64 = arith.constant 1024 : index
    %get3A_65 = arith.constant 0 : index
    %get3A_66 = vector.load %arg2[%get3A_64, %get3A_65] : memref<8192x64xf32, #tpu.memory_space<vmem>>, vector<1024x64xf32>
    %dot_general3A_67 = arith.constant dense<0.000000e+00> : vector<512x1024xf32>
    %dot_general3A_68 = tpu.matmul %convert_element_type3A, %get3A_66, %dot_general3A_67 {dimension_numbers = #tpu.dot_dimension_numbers<[1], [1], [0], [0], [0, 0, 1, 0], [], []>, transpose_lhs_hint = false} : vector<512x64xbf16>, vector<1024x64xf32>, vector<512x1024xf32> -> vector<512x1024xf32>
    %add3A_69 = vector.broadcast %get3A_6 : vector<512x1xf32> to vector<512x1024xf32>
    %add3A_70 = arith.addf %add3A_69, %dot_general3A_68 : vector<512x1024xf32>
    %get3A_71 = arith.constant 0 : index
    %get3A_72 = arith.constant 1024 : index
    %get3A_73 = vector.load %arg4[%get3A_71, %get3A_72] : memref<1x8192xf32, #tpu.memory_space<vmem>>, vector<1x1024xf32>
    %add3A_74 = vector.broadcast %get3A_73 : vector<1x1024xf32> to vector<512x1024xf32>
    %add3A_75 = arith.addf %add3A_70, %add3A_74 : vector<512x1024xf32>
    %slice3A_76 = vector.extract_strided_slice %add3A_75 {offsets = [0, 0], sizes = [512, 128], strides = [1, 1]} : vector<512x1024xf32> to vector<512x128xf32>
    %lt3A_77 = arith.cmpf olt, %slice3A_76, %select_n3A_60 : vector<512x128xf32>
    %select_n3A_78 = arith.select %lt3A_77, %slice3A_76, %select_n3A_60 : vector<512x128xi1>, vector<512x128xf32>
    %jit3A_79 = arith.constant 8 : i32
    %broadcast_in_dim3A_80 = vector.broadcast %jit3A_79 : i32 to vector<512x128xi32>
    %select_n3A_81 = arith.select %lt3A_77, %broadcast_in_dim3A_80, %select_n3A_63 : vector<512x128xi1>, vector<512x128xi32>
    %slice3A_82 = vector.extract_strided_slice %add3A_75 {offsets = [0, 128], sizes = [512, 128], strides = [1, 1]} : vector<512x1024xf32> to vector<512x128xf32>
    %lt3A_83 = arith.cmpf olt, %slice3A_82, %select_n3A_78 : vector<512x128xf32>
    %select_n3A_84 = arith.select %lt3A_83, %slice3A_82, %select_n3A_78 : vector<512x128xi1>, vector<512x128xf32>
    %jit3A_85 = arith.constant 9 : i32
    %broadcast_in_dim3A_86 = vector.broadcast %jit3A_85 : i32 to vector<512x128xi32>
    %select_n3A_87 = arith.select %lt3A_83, %broadcast_in_dim3A_86, %select_n3A_81 : vector<512x128xi1>, vector<512x128xi32>
    %slice3A_88 = vector.extract_strided_slice %add3A_75 {offsets = [0, 256], sizes = [512, 128], strides = [1, 1]} : vector<512x1024xf32> to vector<512x128xf32>
    %lt3A_89 = arith.cmpf olt, %slice3A_88, %select_n3A_84 : vector<512x128xf32>
    %select_n3A_90 = arith.select %lt3A_89, %slice3A_88, %select_n3A_84 : vector<512x128xi1>, vector<512x128xf32>
    %jit3A_91 = arith.constant 10 : i32
    %broadcast_in_dim3A_92 = vector.broadcast %jit3A_91 : i32 to vector<512x128xi32>
    %select_n3A_93 = arith.select %lt3A_89, %broadcast_in_dim3A_92, %select_n3A_87 : vector<512x128xi1>, vector<512x128xi32>
    %slice3A_94 = vector.extract_strided_slice %add3A_75 {offsets = [0, 384], sizes = [512, 128], strides = [1, 1]} : vector<512x1024xf32> to vector<512x128xf32>
    %lt3A_95 = arith.cmpf olt, %slice3A_94, %select_n3A_90 : vector<512x128xf32>
    %select_n3A_96 = arith.select %lt3A_95, %slice3A_94, %select_n3A_90 : vector<512x128xi1>, vector<512x128xf32>
    %jit3A_97 = arith.constant 11 : i32
    %broadcast_in_dim3A_98 = vector.broadcast %jit3A_97 : i32 to vector<512x128xi32>
    %select_n3A_99 = arith.select %lt3A_95, %broadcast_in_dim3A_98, %select_n3A_93 : vector<512x128xi1>, vector<512x128xi32>
    %slice3A_100 = vector.extract_strided_slice %add3A_75 {offsets = [0, 512], sizes = [512, 128], strides = [1, 1]} : vector<512x1024xf32> to vector<512x128xf32>
    %lt3A_101 = arith.cmpf olt, %slice3A_100, %select_n3A_96 : vector<512x128xf32>
    %select_n3A_102 = arith.select %lt3A_101, %slice3A_100, %select_n3A_96 : vector<512x128xi1>, vector<512x128xf32>
    %jit3A_103 = arith.constant 12 : i32
    %broadcast_in_dim3A_104 = vector.broadcast %jit3A_103 : i32 to vector<512x128xi32>
    %select_n3A_105 = arith.select %lt3A_101, %broadcast_in_dim3A_104, %select_n3A_99 : vector<512x128xi1>, vector<512x128xi32>
    %slice3A_106 = vector.extract_strided_slice %add3A_75 {offsets = [0, 640], sizes = [512, 128], strides = [1, 1]} : vector<512x1024xf32> to vector<512x128xf32>
    %lt3A_107 = arith.cmpf olt, %slice3A_106, %select_n3A_102 : vector<512x128xf32>
    %select_n3A_108 = arith.select %lt3A_107, %slice3A_106, %select_n3A_102 : vector<512x128xi1>, vector<512x128xf32>
    %jit3A_109 = arith.constant 13 : i32
    %broadcast_in_dim3A_110 = vector.broadcast %jit3A_109 : i32 to vector<512x128xi32>
    %select_n3A_111 = arith.select %lt3A_107, %broadcast_in_dim3A_110, %select_n3A_105 : vector<512x128xi1>, vector<512x128xi32>
    %slice3A_112 = vector.extract_strided_slice %add3A_75 {offsets = [0, 768], sizes = [512, 128], strides = [1, 1]} : vector<512x1024xf32> to vector<512x128xf32>
    %lt3A_113 = arith.cmpf olt, %slice3A_112, %select_n3A_108 : vector<512x128xf32>
    %select_n3A_114 = arith.select %lt3A_113, %slice3A_112, %select_n3A_108 : vector<512x128xi1>, vector<512x128xf32>
    %jit3A_115 = arith.constant 14 : i32
    %broadcast_in_dim3A_116 = vector.broadcast %jit3A_115 : i32 to vector<512x128xi32>
    %select_n3A_117 = arith.select %lt3A_113, %broadcast_in_dim3A_116, %select_n3A_111 : vector<512x128xi1>, vector<512x128xi32>
    %slice3A_118 = vector.extract_strided_slice %add3A_75 {offsets = [0, 896], sizes = [512, 128], strides = [1, 1]} : vector<512x1024xf32> to vector<512x128xf32>
    %lt3A_119 = arith.cmpf olt, %slice3A_118, %select_n3A_114 : vector<512x128xf32>
    %select_n3A_120 = arith.select %lt3A_119, %slice3A_118, %select_n3A_114 : vector<512x128xi1>, vector<512x128xf32>
    %jit3A_121 = arith.constant 15 : i32
    %broadcast_in_dim3A_122 = vector.broadcast %jit3A_121 : i32 to vector<512x128xi32>
    %select_n3A_123 = arith.select %lt3A_119, %broadcast_in_dim3A_122, %select_n3A_117 : vector<512x128xi1>, vector<512x128xi32>
    %get3A_124 = arith.constant 2048 : index
    %get3A_125 = arith.constant 0 : index
    %get3A_126 = vector.load %arg2[%get3A_124, %get3A_125] : memref<8192x64xf32, #tpu.memory_space<vmem>>, vector<1024x64xf32>
    %dot_general3A_127 = arith.constant dense<0.000000e+00> : vector<512x1024xf32>
    %dot_general3A_128 = tpu.matmul %convert_element_type3A, %get3A_126, %dot_general3A_127 {dimension_numbers = #tpu.dot_dimension_numbers<[1], [1], [0], [0], [0, 0, 1, 0], [], []>, transpose_lhs_hint = false} : vector<512x64xbf16>, vector<1024x64xf32>, vector<512x1024xf32> -> vector<512x1024xf32>
    %add3A_129 = vector.broadcast %get3A_6 : vector<512x1xf32> to vector<512x1024xf32>
    %add3A_130 = arith.addf %add3A_129, %dot_general3A_128 : vector<512x1024xf32>
    %get3A_131 = arith.constant 0 : index
    %get3A_132 = arith.constant 2048 : index
    %get3A_133 = vector.load %arg4[%get3A_131, %get3A_132] : memref<1x8192xf32, #tpu.memory_space<vmem>>, vector<1x1024xf32>
    %add3A_134 = vector.broadcast %get3A_133 : vector<1x1024xf32> to vector<512x1024xf32>
    %add3A_135 = arith.addf %add3A_130, %add3A_134 : vector<512x1024xf32>
    %slice3A_136 = vector.extract_strided_slice %add3A_135 {offsets = [0, 0], sizes = [512, 128], strides = [1, 1]} : vector<512x1024xf32> to vector<512x128xf32>
    %lt3A_137 = arith.cmpf olt, %slice3A_136, %select_n3A_120 : vector<512x128xf32>
    %select_n3A_138 = arith.select %lt3A_137, %slice3A_136, %select_n3A_120 : vector<512x128xi1>, vector<512x128xf32>
    %jit3A_139 = arith.constant 16 : i32
    %broadcast_in_dim3A_140 = vector.broadcast %jit3A_139 : i32 to vector<512x128xi32>
    %select_n3A_141 = arith.select %lt3A_137, %broadcast_in_dim3A_140, %select_n3A_123 : vector<512x128xi1>, vector<512x128xi32>
    %slice3A_142 = vector.extract_strided_slice %add3A_135 {offsets = [0, 128], sizes = [512, 128], strides = [1, 1]} : vector<512x1024xf32> to vector<512x128xf32>
    %lt3A_143 = arith.cmpf olt, %slice3A_142, %select_n3A_138 : vector<512x128xf32>
    %select_n3A_144 = arith.select %lt3A_143, %slice3A_142, %select_n3A_138 : vector<512x128xi1>, vector<512x128xf32>
    %jit3A_145 = arith.constant 17 : i32
    %broadcast_in_dim3A_146 = vector.broadcast %jit3A_145 : i32 to vector<512x128xi32>
    %select_n3A_147 = arith.select %lt3A_143, %broadcast_in_dim3A_146, %select_n3A_141 : vector<512x128xi1>, vector<512x128xi32>
    %slice3A_148 = vector.extract_strided_slice %add3A_135 {offsets = [0, 256], sizes = [512, 128], strides = [1, 1]} : vector<512x1024xf32> to vector<512x128xf32>
    %lt3A_149 = arith.cmpf olt, %slice3A_148, %select_n3A_144 : vector<512x128xf32>
    %select_n3A_150 = arith.select %lt3A_149, %slice3A_148, %select_n3A_144 : vector<512x128xi1>, vector<512x128xf32>
    %jit3A_151 = arith.constant 18 : i32
    %broadcast_in_dim3A_152 = vector.broadcast %jit3A_151 : i32 to vector<512x128xi32>
    %select_n3A_153 = arith.select %lt3A_149, %broadcast_in_dim3A_152, %select_n3A_147 : vector<512x128xi1>, vector<512x128xi32>
    %slice3A_154 = vector.extract_strided_slice %add3A_135 {offsets = [0, 384], sizes = [512, 128], strides = [1, 1]} : vector<512x1024xf32> to vector<512x128xf32>
    %lt3A_155 = arith.cmpf olt, %slice3A_154, %select_n3A_150 : vector<512x128xf32>
    %select_n3A_156 = arith.select %lt3A_155, %slice3A_154, %select_n3A_150 : vector<512x128xi1>, vector<512x128xf32>
    %jit3A_157 = arith.constant 19 : i32
    %broadcast_in_dim3A_158 = vector.broadcast %jit3A_157 : i32 to vector<512x128xi32>
    %select_n3A_159 = arith.select %lt3A_155, %broadcast_in_dim3A_158, %select_n3A_153 : vector<512x128xi1>, vector<512x128xi32>
    %slice3A_160 = vector.extract_strided_slice %add3A_135 {offsets = [0, 512], sizes = [512, 128], strides = [1, 1]} : vector<512x1024xf32> to vector<512x128xf32>
    %lt3A_161 = arith.cmpf olt, %slice3A_160, %select_n3A_156 : vector<512x128xf32>
    %select_n3A_162 = arith.select %lt3A_161, %slice3A_160, %select_n3A_156 : vector<512x128xi1>, vector<512x128xf32>
    %jit3A_163 = arith.constant 20 : i32
    %broadcast_in_dim3A_164 = vector.broadcast %jit3A_163 : i32 to vector<512x128xi32>
    %select_n3A_165 = arith.select %lt3A_161, %broadcast_in_dim3A_164, %select_n3A_159 : vector<512x128xi1>, vector<512x128xi32>
    %slice3A_166 = vector.extract_strided_slice %add3A_135 {offsets = [0, 640], sizes = [512, 128], strides = [1, 1]} : vector<512x1024xf32> to vector<512x128xf32>
    %lt3A_167 = arith.cmpf olt, %slice3A_166, %select_n3A_162 : vector<512x128xf32>
    %select_n3A_168 = arith.select %lt3A_167, %slice3A_166, %select_n3A_162 : vector<512x128xi1>, vector<512x128xf32>
    %jit3A_169 = arith.constant 21 : i32
    %broadcast_in_dim3A_170 = vector.broadcast %jit3A_169 : i32 to vector<512x128xi32>
    %select_n3A_171 = arith.select %lt3A_167, %broadcast_in_dim3A_170, %select_n3A_165 : vector<512x128xi1>, vector<512x128xi32>
    %slice3A_172 = vector.extract_strided_slice %add3A_135 {offsets = [0, 768], sizes = [512, 128], strides = [1, 1]} : vector<512x1024xf32> to vector<512x128xf32>
    %lt3A_173 = arith.cmpf olt, %slice3A_172, %select_n3A_168 : vector<512x128xf32>
    %select_n3A_174 = arith.select %lt3A_173, %slice3A_172, %select_n3A_168 : vector<512x128xi1>, vector<512x128xf32>
    %jit3A_175 = arith.constant 22 : i32
    %broadcast_in_dim3A_176 = vector.broadcast %jit3A_175 : i32 to vector<512x128xi32>
    %select_n3A_177 = arith.select %lt3A_173, %broadcast_in_dim3A_176, %select_n3A_171 : vector<512x128xi1>, vector<512x128xi32>
    %slice3A_178 = vector.extract_strided_slice %add3A_135 {offsets = [0, 896], sizes = [512, 128], strides = [1, 1]} : vector<512x1024xf32> to vector<512x128xf32>
    %lt3A_179 = arith.cmpf olt, %slice3A_178, %select_n3A_174 : vector<512x128xf32>
    %select_n3A_180 = arith.select %lt3A_179, %slice3A_178, %select_n3A_174 : vector<512x128xi1>, vector<512x128xf32>
    %jit3A_181 = arith.constant 23 : i32
    %broadcast_in_dim3A_182 = vector.broadcast %jit3A_181 : i32 to vector<512x128xi32>
    %select_n3A_183 = arith.select %lt3A_179, %broadcast_in_dim3A_182, %select_n3A_177 : vector<512x128xi1>, vector<512x128xi32>
    %get3A_184 = arith.constant 3072 : index
    %get3A_185 = arith.constant 0 : index
    %get3A_186 = vector.load %arg2[%get3A_184, %get3A_185] : memref<8192x64xf32, #tpu.memory_space<vmem>>, vector<1024x64xf32>
    %dot_general3A_187 = arith.constant dense<0.000000e+00> : vector<512x1024xf32>
    %dot_general3A_188 = tpu.matmul %convert_element_type3A, %get3A_186, %dot_general3A_187 {dimension_numbers = #tpu.dot_dimension_numbers<[1], [1], [0], [0], [0, 0, 1, 0], [], []>, transpose_lhs_hint = false} : vector<512x64xbf16>, vector<1024x64xf32>, vector<512x1024xf32> -> vector<512x1024xf32>
    %add3A_189 = vector.broadcast %get3A_6 : vector<512x1xf32> to vector<512x1024xf32>
    %add3A_190 = arith.addf %add3A_189, %dot_general3A_188 : vector<512x1024xf32>
    %get3A_191 = arith.constant 0 : index
    %get3A_192 = arith.constant 3072 : index
    %get3A_193 = vector.load %arg4[%get3A_191, %get3A_192] : memref<1x8192xf32, #tpu.memory_space<vmem>>, vector<1x1024xf32>
    %add3A_194 = vector.broadcast %get3A_193 : vector<1x1024xf32> to vector<512x1024xf32>
    %add3A_195 = arith.addf %add3A_190, %add3A_194 : vector<512x1024xf32>
    %slice3A_196 = vector.extract_strided_slice %add3A_195 {offsets = [0, 0], sizes = [512, 128], strides = [1, 1]} : vector<512x1024xf32> to vector<512x128xf32>
    %lt3A_197 = arith.cmpf olt, %slice3A_196, %select_n3A_180 : vector<512x128xf32>
    %select_n3A_198 = arith.select %lt3A_197, %slice3A_196, %select_n3A_180 : vector<512x128xi1>, vector<512x128xf32>
    %jit3A_199 = arith.constant 24 : i32
    %broadcast_in_dim3A_200 = vector.broadcast %jit3A_199 : i32 to vector<512x128xi32>
    %select_n3A_201 = arith.select %lt3A_197, %broadcast_in_dim3A_200, %select_n3A_183 : vector<512x128xi1>, vector<512x128xi32>
    %slice3A_202 = vector.extract_strided_slice %add3A_195 {offsets = [0, 128], sizes = [512, 128], strides = [1, 1]} : vector<512x1024xf32> to vector<512x128xf32>
    %lt3A_203 = arith.cmpf olt, %slice3A_202, %select_n3A_198 : vector<512x128xf32>
    %select_n3A_204 = arith.select %lt3A_203, %slice3A_202, %select_n3A_198 : vector<512x128xi1>, vector<512x128xf32>
    %jit3A_205 = arith.constant 25 : i32
    %broadcast_in_dim3A_206 = vector.broadcast %jit3A_205 : i32 to vector<512x128xi32>
    %select_n3A_207 = arith.select %lt3A_203, %broadcast_in_dim3A_206, %select_n3A_201 : vector<512x128xi1>, vector<512x128xi32>
    %slice3A_208 = vector.extract_strided_slice %add3A_195 {offsets = [0, 256], sizes = [512, 128], strides = [1, 1]} : vector<512x1024xf32> to vector<512x128xf32>
    %lt3A_209 = arith.cmpf olt, %slice3A_208, %select_n3A_204 : vector<512x128xf32>
    %select_n3A_210 = arith.select %lt3A_209, %slice3A_208, %select_n3A_204 : vector<512x128xi1>, vector<512x128xf32>
    %jit3A_211 = arith.constant 26 : i32
    %broadcast_in_dim3A_212 = vector.broadcast %jit3A_211 : i32 to vector<512x128xi32>
    %select_n3A_213 = arith.select %lt3A_209, %broadcast_in_dim3A_212, %select_n3A_207 : vector<512x128xi1>, vector<512x128xi32>
    %slice3A_214 = vector.extract_strided_slice %add3A_195 {offsets = [0, 384], sizes = [512, 128], strides = [1, 1]} : vector<512x1024xf32> to vector<512x128xf32>
    %lt3A_215 = arith.cmpf olt, %slice3A_214, %select_n3A_210 : vector<512x128xf32>
    %select_n3A_216 = arith.select %lt3A_215, %slice3A_214, %select_n3A_210 : vector<512x128xi1>, vector<512x128xf32>
    %jit3A_217 = arith.constant 27 : i32
    %broadcast_in_dim3A_218 = vector.broadcast %jit3A_217 : i32 to vector<512x128xi32>
    %select_n3A_219 = arith.select %lt3A_215, %broadcast_in_dim3A_218, %select_n3A_213 : vector<512x128xi1>, vector<512x128xi32>
    %slice3A_220 = vector.extract_strided_slice %add3A_195 {offsets = [0, 512], sizes = [512, 128], strides = [1, 1]} : vector<512x1024xf32> to vector<512x128xf32>
    %lt3A_221 = arith.cmpf olt, %slice3A_220, %select_n3A_216 : vector<512x128xf32>
    %select_n3A_222 = arith.select %lt3A_221, %slice3A_220, %select_n3A_216 : vector<512x128xi1>, vector<512x128xf32>
    %jit3A_223 = arith.constant 28 : i32
    %broadcast_in_dim3A_224 = vector.broadcast %jit3A_223 : i32 to vector<512x128xi32>
    %select_n3A_225 = arith.select %lt3A_221, %broadcast_in_dim3A_224, %select_n3A_219 : vector<512x128xi1>, vector<512x128xi32>
    %slice3A_226 = vector.extract_strided_slice %add3A_195 {offsets = [0, 640], sizes = [512, 128], strides = [1, 1]} : vector<512x1024xf32> to vector<512x128xf32>
    %lt3A_227 = arith.cmpf olt, %slice3A_226, %select_n3A_222 : vector<512x128xf32>
    %select_n3A_228 = arith.select %lt3A_227, %slice3A_226, %select_n3A_222 : vector<512x128xi1>, vector<512x128xf32>
    %jit3A_229 = arith.constant 29 : i32
    %broadcast_in_dim3A_230 = vector.broadcast %jit3A_229 : i32 to vector<512x128xi32>
    %select_n3A_231 = arith.select %lt3A_227, %broadcast_in_dim3A_230, %select_n3A_225 : vector<512x128xi1>, vector<512x128xi32>
    %slice3A_232 = vector.extract_strided_slice %add3A_195 {offsets = [0, 768], sizes = [512, 128], strides = [1, 1]} : vector<512x1024xf32> to vector<512x128xf32>
    %lt3A_233 = arith.cmpf olt, %slice3A_232, %select_n3A_228 : vector<512x128xf32>
    %select_n3A_234 = arith.select %lt3A_233, %slice3A_232, %select_n3A_228 : vector<512x128xi1>, vector<512x128xf32>
    %jit3A_235 = arith.constant 30 : i32
    %broadcast_in_dim3A_236 = vector.broadcast %jit3A_235 : i32 to vector<512x128xi32>
    %select_n3A_237 = arith.select %lt3A_233, %broadcast_in_dim3A_236, %select_n3A_231 : vector<512x128xi1>, vector<512x128xi32>
    %slice3A_238 = vector.extract_strided_slice %add3A_195 {offsets = [0, 896], sizes = [512, 128], strides = [1, 1]} : vector<512x1024xf32> to vector<512x128xf32>
    %lt3A_239 = arith.cmpf olt, %slice3A_238, %select_n3A_234 : vector<512x128xf32>
    %select_n3A_240 = arith.select %lt3A_239, %slice3A_238, %select_n3A_234 : vector<512x128xi1>, vector<512x128xf32>
    %jit3A_241 = arith.constant 31 : i32
    %broadcast_in_dim3A_242 = vector.broadcast %jit3A_241 : i32 to vector<512x128xi32>
    %select_n3A_243 = arith.select %lt3A_239, %broadcast_in_dim3A_242, %select_n3A_237 : vector<512x128xi1>, vector<512x128xi32>
    %get3A_244 = arith.constant 4096 : index
    %get3A_245 = arith.constant 0 : index
    %get3A_246 = vector.load %arg2[%get3A_244, %get3A_245] : memref<8192x64xf32, #tpu.memory_space<vmem>>, vector<1024x64xf32>
    %dot_general3A_247 = arith.constant dense<0.000000e+00> : vector<512x1024xf32>
    %dot_general3A_248 = tpu.matmul %convert_element_type3A, %get3A_246, %dot_general3A_247 {dimension_numbers = #tpu.dot_dimension_numbers<[1], [1], [0], [0], [0, 0, 1, 0], [], []>, transpose_lhs_hint = false} : vector<512x64xbf16>, vector<1024x64xf32>, vector<512x1024xf32> -> vector<512x1024xf32>
    %add3A_249 = vector.broadcast %get3A_6 : vector<512x1xf32> to vector<512x1024xf32>
    %add3A_250 = arith.addf %add3A_249, %dot_general3A_248 : vector<512x1024xf32>
    %get3A_251 = arith.constant 0 : index
    %get3A_252 = arith.constant 4096 : index
    %get3A_253 = vector.load %arg4[%get3A_251, %get3A_252] : memref<1x8192xf32, #tpu.memory_space<vmem>>, vector<1x1024xf32>
    %add3A_254 = vector.broadcast %get3A_253 : vector<1x1024xf32> to vector<512x1024xf32>
    %add3A_255 = arith.addf %add3A_250, %add3A_254 : vector<512x1024xf32>
    %slice3A_256 = vector.extract_strided_slice %add3A_255 {offsets = [0, 0], sizes = [512, 128], strides = [1, 1]} : vector<512x1024xf32> to vector<512x128xf32>
    %lt3A_257 = arith.cmpf olt, %slice3A_256, %select_n3A_240 : vector<512x128xf32>
    %select_n3A_258 = arith.select %lt3A_257, %slice3A_256, %select_n3A_240 : vector<512x128xi1>, vector<512x128xf32>
    %jit3A_259 = arith.constant 32 : i32
    %broadcast_in_dim3A_260 = vector.broadcast %jit3A_259 : i32 to vector<512x128xi32>
    %select_n3A_261 = arith.select %lt3A_257, %broadcast_in_dim3A_260, %select_n3A_243 : vector<512x128xi1>, vector<512x128xi32>
    %slice3A_262 = vector.extract_strided_slice %add3A_255 {offsets = [0, 128], sizes = [512, 128], strides = [1, 1]} : vector<512x1024xf32> to vector<512x128xf32>
    %lt3A_263 = arith.cmpf olt, %slice3A_262, %select_n3A_258 : vector<512x128xf32>
    %select_n3A_264 = arith.select %lt3A_263, %slice3A_262, %select_n3A_258 : vector<512x128xi1>, vector<512x128xf32>
    %jit3A_265 = arith.constant 33 : i32
    %broadcast_in_dim3A_266 = vector.broadcast %jit3A_265 : i32 to vector<512x128xi32>
    %select_n3A_267 = arith.select %lt3A_263, %broadcast_in_dim3A_266, %select_n3A_261 : vector<512x128xi1>, vector<512x128xi32>
    %slice3A_268 = vector.extract_strided_slice %add3A_255 {offsets = [0, 256], sizes = [512, 128], strides = [1, 1]} : vector<512x1024xf32> to vector<512x128xf32>
    %lt3A_269 = arith.cmpf olt, %slice3A_268, %select_n3A_264 : vector<512x128xf32>
    %select_n3A_270 = arith.select %lt3A_269, %slice3A_268, %select_n3A_264 : vector<512x128xi1>, vector<512x128xf32>
    %jit3A_271 = arith.constant 34 : i32
    %broadcast_in_dim3A_272 = vector.broadcast %jit3A_271 : i32 to vector<512x128xi32>
    %select_n3A_273 = arith.select %lt3A_269, %broadcast_in_dim3A_272, %select_n3A_267 : vector<512x128xi1>, vector<512x128xi32>
    %slice3A_274 = vector.extract_strided_slice %add3A_255 {offsets = [0, 384], sizes = [512, 128], strides = [1, 1]} : vector<512x1024xf32> to vector<512x128xf32>
    %lt3A_275 = arith.cmpf olt, %slice3A_274, %select_n3A_270 : vector<512x128xf32>
    %select_n3A_276 = arith.select %lt3A_275, %slice3A_274, %select_n3A_270 : vector<512x128xi1>, vector<512x128xf32>
    %jit3A_277 = arith.constant 35 : i32
    %broadcast_in_dim3A_278 = vector.broadcast %jit3A_277 : i32 to vector<512x128xi32>
    %select_n3A_279 = arith.select %lt3A_275, %broadcast_in_dim3A_278, %select_n3A_273 : vector<512x128xi1>, vector<512x128xi32>
    %slice3A_280 = vector.extract_strided_slice %add3A_255 {offsets = [0, 512], sizes = [512, 128], strides = [1, 1]} : vector<512x1024xf32> to vector<512x128xf32>
    %lt3A_281 = arith.cmpf olt, %slice3A_280, %select_n3A_276 : vector<512x128xf32>
    %select_n3A_282 = arith.select %lt3A_281, %slice3A_280, %select_n3A_276 : vector<512x128xi1>, vector<512x128xf32>
    %jit3A_283 = arith.constant 36 : i32
    %broadcast_in_dim3A_284 = vector.broadcast %jit3A_283 : i32 to vector<512x128xi32>
    %select_n3A_285 = arith.select %lt3A_281, %broadcast_in_dim3A_284, %select_n3A_279 : vector<512x128xi1>, vector<512x128xi32>
    %slice3A_286 = vector.extract_strided_slice %add3A_255 {offsets = [0, 640], sizes = [512, 128], strides = [1, 1]} : vector<512x1024xf32> to vector<512x128xf32>
    %lt3A_287 = arith.cmpf olt, %slice3A_286, %select_n3A_282 : vector<512x128xf32>
    %select_n3A_288 = arith.select %lt3A_287, %slice3A_286, %select_n3A_282 : vector<512x128xi1>, vector<512x128xf32>
    %jit3A_289 = arith.constant 37 : i32
    %broadcast_in_dim3A_290 = vector.broadcast %jit3A_289 : i32 to vector<512x128xi32>
    %select_n3A_291 = arith.select %lt3A_287, %broadcast_in_dim3A_290, %select_n3A_285 : vector<512x128xi1>, vector<512x128xi32>
    %slice3A_292 = vector.extract_strided_slice %add3A_255 {offsets = [0, 768], sizes = [512, 128], strides = [1, 1]} : vector<512x1024xf32> to vector<512x128xf32>
    %lt3A_293 = arith.cmpf olt, %slice3A_292, %select_n3A_288 : vector<512x128xf32>
    %select_n3A_294 = arith.select %lt3A_293, %slice3A_292, %select_n3A_288 : vector<512x128xi1>, vector<512x128xf32>
    %jit3A_295 = arith.constant 38 : i32
    %broadcast_in_dim3A_296 = vector.broadcast %jit3A_295 : i32 to vector<512x128xi32>
    %select_n3A_297 = arith.select %lt3A_293, %broadcast_in_dim3A_296, %select_n3A_291 : vector<512x128xi1>, vector<512x128xi32>
    %slice3A_298 = vector.extract_strided_slice %add3A_255 {offsets = [0, 896], sizes = [512, 128], strides = [1, 1]} : vector<512x1024xf32> to vector<512x128xf32>
    %lt3A_299 = arith.cmpf olt, %slice3A_298, %select_n3A_294 : vector<512x128xf32>
    %select_n3A_300 = arith.select %lt3A_299, %slice3A_298, %select_n3A_294 : vector<512x128xi1>, vector<512x128xf32>
    %jit3A_301 = arith.constant 39 : i32
    %broadcast_in_dim3A_302 = vector.broadcast %jit3A_301 : i32 to vector<512x128xi32>
    %select_n3A_303 = arith.select %lt3A_299, %broadcast_in_dim3A_302, %select_n3A_297 : vector<512x128xi1>, vector<512x128xi32>
    %get3A_304 = arith.constant 5120 : index
    %get3A_305 = arith.constant 0 : index
    %get3A_306 = vector.load %arg2[%get3A_304, %get3A_305] : memref<8192x64xf32, #tpu.memory_space<vmem>>, vector<1024x64xf32>
    %dot_general3A_307 = arith.constant dense<0.000000e+00> : vector<512x1024xf32>
    %dot_general3A_308 = tpu.matmul %convert_element_type3A, %get3A_306, %dot_general3A_307 {dimension_numbers = #tpu.dot_dimension_numbers<[1], [1], [0], [0], [0, 0, 1, 0], [], []>, transpose_lhs_hint = false} : vector<512x64xbf16>, vector<1024x64xf32>, vector<512x1024xf32> -> vector<512x1024xf32>
    %add3A_309 = vector.broadcast %get3A_6 : vector<512x1xf32> to vector<512x1024xf32>
    %add3A_310 = arith.addf %add3A_309, %dot_general3A_308 : vector<512x1024xf32>
    %get3A_311 = arith.constant 0 : index
    %get3A_312 = arith.constant 5120 : index
    %get3A_313 = vector.load %arg4[%get3A_311, %get3A_312] : memref<1x8192xf32, #tpu.memory_space<vmem>>, vector<1x1024xf32>
    %add3A_314 = vector.broadcast %get3A_313 : vector<1x1024xf32> to vector<512x1024xf32>
    %add3A_315 = arith.addf %add3A_310, %add3A_314 : vector<512x1024xf32>
    %slice3A_316 = vector.extract_strided_slice %add3A_315 {offsets = [0, 0], sizes = [512, 128], strides = [1, 1]} : vector<512x1024xf32> to vector<512x128xf32>
    %lt3A_317 = arith.cmpf olt, %slice3A_316, %select_n3A_300 : vector<512x128xf32>
    %select_n3A_318 = arith.select %lt3A_317, %slice3A_316, %select_n3A_300 : vector<512x128xi1>, vector<512x128xf32>
    %jit3A_319 = arith.constant 40 : i32
    %broadcast_in_dim3A_320 = vector.broadcast %jit3A_319 : i32 to vector<512x128xi32>
    %select_n3A_321 = arith.select %lt3A_317, %broadcast_in_dim3A_320, %select_n3A_303 : vector<512x128xi1>, vector<512x128xi32>
    %slice3A_322 = vector.extract_strided_slice %add3A_315 {offsets = [0, 128], sizes = [512, 128], strides = [1, 1]} : vector<512x1024xf32> to vector<512x128xf32>
    %lt3A_323 = arith.cmpf olt, %slice3A_322, %select_n3A_318 : vector<512x128xf32>
    %select_n3A_324 = arith.select %lt3A_323, %slice3A_322, %select_n3A_318 : vector<512x128xi1>, vector<512x128xf32>
    %jit3A_325 = arith.constant 41 : i32
    %broadcast_in_dim3A_326 = vector.broadcast %jit3A_325 : i32 to vector<512x128xi32>
    %select_n3A_327 = arith.select %lt3A_323, %broadcast_in_dim3A_326, %select_n3A_321 : vector<512x128xi1>, vector<512x128xi32>
    %slice3A_328 = vector.extract_strided_slice %add3A_315 {offsets = [0, 256], sizes = [512, 128], strides = [1, 1]} : vector<512x1024xf32> to vector<512x128xf32>
    %lt3A_329 = arith.cmpf olt, %slice3A_328, %select_n3A_324 : vector<512x128xf32>
    %select_n3A_330 = arith.select %lt3A_329, %slice3A_328, %select_n3A_324 : vector<512x128xi1>, vector<512x128xf32>
    %jit3A_331 = arith.constant 42 : i32
    %broadcast_in_dim3A_332 = vector.broadcast %jit3A_331 : i32 to vector<512x128xi32>
    %select_n3A_333 = arith.select %lt3A_329, %broadcast_in_dim3A_332, %select_n3A_327 : vector<512x128xi1>, vector<512x128xi32>
    %slice3A_334 = vector.extract_strided_slice %add3A_315 {offsets = [0, 384], sizes = [512, 128], strides = [1, 1]} : vector<512x1024xf32> to vector<512x128xf32>
    %lt3A_335 = arith.cmpf olt, %slice3A_334, %select_n3A_330 : vector<512x128xf32>
    %select_n3A_336 = arith.select %lt3A_335, %slice3A_334, %select_n3A_330 : vector<512x128xi1>, vector<512x128xf32>
    %jit3A_337 = arith.constant 43 : i32
    %broadcast_in_dim3A_338 = vector.broadcast %jit3A_337 : i32 to vector<512x128xi32>
    %select_n3A_339 = arith.select %lt3A_335, %broadcast_in_dim3A_338, %select_n3A_333 : vector<512x128xi1>, vector<512x128xi32>
    %slice3A_340 = vector.extract_strided_slice %add3A_315 {offsets = [0, 512], sizes = [512, 128], strides = [1, 1]} : vector<512x1024xf32> to vector<512x128xf32>
    %lt3A_341 = arith.cmpf olt, %slice3A_340, %select_n3A_336 : vector<512x128xf32>
    %select_n3A_342 = arith.select %lt3A_341, %slice3A_340, %select_n3A_336 : vector<512x128xi1>, vector<512x128xf32>
    %jit3A_343 = arith.constant 44 : i32
    %broadcast_in_dim3A_344 = vector.broadcast %jit3A_343 : i32 to vector<512x128xi32>
    %select_n3A_345 = arith.select %lt3A_341, %broadcast_in_dim3A_344, %select_n3A_339 : vector<512x128xi1>, vector<512x128xi32>
    %slice3A_346 = vector.extract_strided_slice %add3A_315 {offsets = [0, 640], sizes = [512, 128], strides = [1, 1]} : vector<512x1024xf32> to vector<512x128xf32>
    %lt3A_347 = arith.cmpf olt, %slice3A_346, %select_n3A_342 : vector<512x128xf32>
    %select_n3A_348 = arith.select %lt3A_347, %slice3A_346, %select_n3A_342 : vector<512x128xi1>, vector<512x128xf32>
    %jit3A_349 = arith.constant 45 : i32
    %broadcast_in_dim3A_350 = vector.broadcast %jit3A_349 : i32 to vector<512x128xi32>
    %select_n3A_351 = arith.select %lt3A_347, %broadcast_in_dim3A_350, %select_n3A_345 : vector<512x128xi1>, vector<512x128xi32>
    %slice3A_352 = vector.extract_strided_slice %add3A_315 {offsets = [0, 768], sizes = [512, 128], strides = [1, 1]} : vector<512x1024xf32> to vector<512x128xf32>
    %lt3A_353 = arith.cmpf olt, %slice3A_352, %select_n3A_348 : vector<512x128xf32>
    %select_n3A_354 = arith.select %lt3A_353, %slice3A_352, %select_n3A_348 : vector<512x128xi1>, vector<512x128xf32>
    %jit3A_355 = arith.constant 46 : i32
    %broadcast_in_dim3A_356 = vector.broadcast %jit3A_355 : i32 to vector<512x128xi32>
    %select_n3A_357 = arith.select %lt3A_353, %broadcast_in_dim3A_356, %select_n3A_351 : vector<512x128xi1>, vector<512x128xi32>
    %slice3A_358 = vector.extract_strided_slice %add3A_315 {offsets = [0, 896], sizes = [512, 128], strides = [1, 1]} : vector<512x1024xf32> to vector<512x128xf32>
    %lt3A_359 = arith.cmpf olt, %slice3A_358, %select_n3A_354 : vector<512x128xf32>
    %select_n3A_360 = arith.select %lt3A_359, %slice3A_358, %select_n3A_354 : vector<512x128xi1>, vector<512x128xf32>
    %jit3A_361 = arith.constant 47 : i32
    %broadcast_in_dim3A_362 = vector.broadcast %jit3A_361 : i32 to vector<512x128xi32>
    %select_n3A_363 = arith.select %lt3A_359, %broadcast_in_dim3A_362, %select_n3A_357 : vector<512x128xi1>, vector<512x128xi32>
    %get3A_364 = arith.constant 6144 : index
    %get3A_365 = arith.constant 0 : index
    %get3A_366 = vector.load %arg2[%get3A_364, %get3A_365] : memref<8192x64xf32, #tpu.memory_space<vmem>>, vector<1024x64xf32>
    %dot_general3A_367 = arith.constant dense<0.000000e+00> : vector<512x1024xf32>
    %dot_general3A_368 = tpu.matmul %convert_element_type3A, %get3A_366, %dot_general3A_367 {dimension_numbers = #tpu.dot_dimension_numbers<[1], [1], [0], [0], [0, 0, 1, 0], [], []>, transpose_lhs_hint = false} : vector<512x64xbf16>, vector<1024x64xf32>, vector<512x1024xf32> -> vector<512x1024xf32>
    %add3A_369 = vector.broadcast %get3A_6 : vector<512x1xf32> to vector<512x1024xf32>
    %add3A_370 = arith.addf %add3A_369, %dot_general3A_368 : vector<512x1024xf32>
    %get3A_371 = arith.constant 0 : index
    %get3A_372 = arith.constant 6144 : index
    %get3A_373 = vector.load %arg4[%get3A_371, %get3A_372] : memref<1x8192xf32, #tpu.memory_space<vmem>>, vector<1x1024xf32>
    %add3A_374 = vector.broadcast %get3A_373 : vector<1x1024xf32> to vector<512x1024xf32>
    %add3A_375 = arith.addf %add3A_370, %add3A_374 : vector<512x1024xf32>
    %slice3A_376 = vector.extract_strided_slice %add3A_375 {offsets = [0, 0], sizes = [512, 128], strides = [1, 1]} : vector<512x1024xf32> to vector<512x128xf32>
    %lt3A_377 = arith.cmpf olt, %slice3A_376, %select_n3A_360 : vector<512x128xf32>
    %select_n3A_378 = arith.select %lt3A_377, %slice3A_376, %select_n3A_360 : vector<512x128xi1>, vector<512x128xf32>
    %jit3A_379 = arith.constant 48 : i32
    %broadcast_in_dim3A_380 = vector.broadcast %jit3A_379 : i32 to vector<512x128xi32>
    %select_n3A_381 = arith.select %lt3A_377, %broadcast_in_dim3A_380, %select_n3A_363 : vector<512x128xi1>, vector<512x128xi32>
    %slice3A_382 = vector.extract_strided_slice %add3A_375 {offsets = [0, 128], sizes = [512, 128], strides = [1, 1]} : vector<512x1024xf32> to vector<512x128xf32>
    %lt3A_383 = arith.cmpf olt, %slice3A_382, %select_n3A_378 : vector<512x128xf32>
    %select_n3A_384 = arith.select %lt3A_383, %slice3A_382, %select_n3A_378 : vector<512x128xi1>, vector<512x128xf32>
    %jit3A_385 = arith.constant 49 : i32
    %broadcast_in_dim3A_386 = vector.broadcast %jit3A_385 : i32 to vector<512x128xi32>
    %select_n3A_387 = arith.select %lt3A_383, %broadcast_in_dim3A_386, %select_n3A_381 : vector<512x128xi1>, vector<512x128xi32>
    %slice3A_388 = vector.extract_strided_slice %add3A_375 {offsets = [0, 256], sizes = [512, 128], strides = [1, 1]} : vector<512x1024xf32> to vector<512x128xf32>
    %lt3A_389 = arith.cmpf olt, %slice3A_388, %select_n3A_384 : vector<512x128xf32>
    %select_n3A_390 = arith.select %lt3A_389, %slice3A_388, %select_n3A_384 : vector<512x128xi1>, vector<512x128xf32>
    %jit3A_391 = arith.constant 50 : i32
    %broadcast_in_dim3A_392 = vector.broadcast %jit3A_391 : i32 to vector<512x128xi32>
    %select_n3A_393 = arith.select %lt3A_389, %broadcast_in_dim3A_392, %select_n3A_387 : vector<512x128xi1>, vector<512x128xi32>
    %slice3A_394 = vector.extract_strided_slice %add3A_375 {offsets = [0, 384], sizes = [512, 128], strides = [1, 1]} : vector<512x1024xf32> to vector<512x128xf32>
    %lt3A_395 = arith.cmpf olt, %slice3A_394, %select_n3A_390 : vector<512x128xf32>
    %select_n3A_396 = arith.select %lt3A_395, %slice3A_394, %select_n3A_390 : vector<512x128xi1>, vector<512x128xf32>
    %jit3A_397 = arith.constant 51 : i32
    %broadcast_in_dim3A_398 = vector.broadcast %jit3A_397 : i32 to vector<512x128xi32>
    %select_n3A_399 = arith.select %lt3A_395, %broadcast_in_dim3A_398, %select_n3A_393 : vector<512x128xi1>, vector<512x128xi32>
    %slice3A_400 = vector.extract_strided_slice %add3A_375 {offsets = [0, 512], sizes = [512, 128], strides = [1, 1]} : vector<512x1024xf32> to vector<512x128xf32>
    %lt3A_401 = arith.cmpf olt, %slice3A_400, %select_n3A_396 : vector<512x128xf32>
    %select_n3A_402 = arith.select %lt3A_401, %slice3A_400, %select_n3A_396 : vector<512x128xi1>, vector<512x128xf32>
    %jit3A_403 = arith.constant 52 : i32
    %broadcast_in_dim3A_404 = vector.broadcast %jit3A_403 : i32 to vector<512x128xi32>
    %select_n3A_405 = arith.select %lt3A_401, %broadcast_in_dim3A_404, %select_n3A_399 : vector<512x128xi1>, vector<512x128xi32>
    %slice3A_406 = vector.extract_strided_slice %add3A_375 {offsets = [0, 640], sizes = [512, 128], strides = [1, 1]} : vector<512x1024xf32> to vector<512x128xf32>
    %lt3A_407 = arith.cmpf olt, %slice3A_406, %select_n3A_402 : vector<512x128xf32>
    %select_n3A_408 = arith.select %lt3A_407, %slice3A_406, %select_n3A_402 : vector<512x128xi1>, vector<512x128xf32>
    %jit3A_409 = arith.constant 53 : i32
    %broadcast_in_dim3A_410 = vector.broadcast %jit3A_409 : i32 to vector<512x128xi32>
    %select_n3A_411 = arith.select %lt3A_407, %broadcast_in_dim3A_410, %select_n3A_405 : vector<512x128xi1>, vector<512x128xi32>
    %slice3A_412 = vector.extract_strided_slice %add3A_375 {offsets = [0, 768], sizes = [512, 128], strides = [1, 1]} : vector<512x1024xf32> to vector<512x128xf32>
    %lt3A_413 = arith.cmpf olt, %slice3A_412, %select_n3A_408 : vector<512x128xf32>
    %select_n3A_414 = arith.select %lt3A_413, %slice3A_412, %select_n3A_408 : vector<512x128xi1>, vector<512x128xf32>
    %jit3A_415 = arith.constant 54 : i32
    %broadcast_in_dim3A_416 = vector.broadcast %jit3A_415 : i32 to vector<512x128xi32>
    %select_n3A_417 = arith.select %lt3A_413, %broadcast_in_dim3A_416, %select_n3A_411 : vector<512x128xi1>, vector<512x128xi32>
    %slice3A_418 = vector.extract_strided_slice %add3A_375 {offsets = [0, 896], sizes = [512, 128], strides = [1, 1]} : vector<512x1024xf32> to vector<512x128xf32>
    %lt3A_419 = arith.cmpf olt, %slice3A_418, %select_n3A_414 : vector<512x128xf32>
    %select_n3A_420 = arith.select %lt3A_419, %slice3A_418, %select_n3A_414 : vector<512x128xi1>, vector<512x128xf32>
    %jit3A_421 = arith.constant 55 : i32
    %broadcast_in_dim3A_422 = vector.broadcast %jit3A_421 : i32 to vector<512x128xi32>
    %select_n3A_423 = arith.select %lt3A_419, %broadcast_in_dim3A_422, %select_n3A_417 : vector<512x128xi1>, vector<512x128xi32>
    %get3A_424 = arith.constant 7168 : index
    %get3A_425 = arith.constant 0 : index
    %get3A_426 = vector.load %arg2[%get3A_424, %get3A_425] : memref<8192x64xf32, #tpu.memory_space<vmem>>, vector<1024x64xf32>
    %dot_general3A_427 = arith.constant dense<0.000000e+00> : vector<512x1024xf32>
    %dot_general3A_428 = tpu.matmul %convert_element_type3A, %get3A_426, %dot_general3A_427 {dimension_numbers = #tpu.dot_dimension_numbers<[1], [1], [0], [0], [0, 0, 1, 0], [], []>, transpose_lhs_hint = false} : vector<512x64xbf16>, vector<1024x64xf32>, vector<512x1024xf32> -> vector<512x1024xf32>
    %add3A_429 = vector.broadcast %get3A_6 : vector<512x1xf32> to vector<512x1024xf32>
    %add3A_430 = arith.addf %add3A_429, %dot_general3A_428 : vector<512x1024xf32>
    %get3A_431 = arith.constant 0 : index
    %get3A_432 = arith.constant 7168 : index
    %get3A_433 = vector.load %arg4[%get3A_431, %get3A_432] : memref<1x8192xf32, #tpu.memory_space<vmem>>, vector<1x1024xf32>
    %add3A_434 = vector.broadcast %get3A_433 : vector<1x1024xf32> to vector<512x1024xf32>
    %add3A_435 = arith.addf %add3A_430, %add3A_434 : vector<512x1024xf32>
    %slice3A_436 = vector.extract_strided_slice %add3A_435 {offsets = [0, 0], sizes = [512, 128], strides = [1, 1]} : vector<512x1024xf32> to vector<512x128xf32>
    %lt3A_437 = arith.cmpf olt, %slice3A_436, %select_n3A_420 : vector<512x128xf32>
    %select_n3A_438 = arith.select %lt3A_437, %slice3A_436, %select_n3A_420 : vector<512x128xi1>, vector<512x128xf32>
    %jit3A_439 = arith.constant 56 : i32
    %broadcast_in_dim3A_440 = vector.broadcast %jit3A_439 : i32 to vector<512x128xi32>
    %select_n3A_441 = arith.select %lt3A_437, %broadcast_in_dim3A_440, %select_n3A_423 : vector<512x128xi1>, vector<512x128xi32>
    %slice3A_442 = vector.extract_strided_slice %add3A_435 {offsets = [0, 128], sizes = [512, 128], strides = [1, 1]} : vector<512x1024xf32> to vector<512x128xf32>
    %lt3A_443 = arith.cmpf olt, %slice3A_442, %select_n3A_438 : vector<512x128xf32>
    %select_n3A_444 = arith.select %lt3A_443, %slice3A_442, %select_n3A_438 : vector<512x128xi1>, vector<512x128xf32>
    %jit3A_445 = arith.constant 57 : i32
    %broadcast_in_dim3A_446 = vector.broadcast %jit3A_445 : i32 to vector<512x128xi32>
    %select_n3A_447 = arith.select %lt3A_443, %broadcast_in_dim3A_446, %select_n3A_441 : vector<512x128xi1>, vector<512x128xi32>
    %slice3A_448 = vector.extract_strided_slice %add3A_435 {offsets = [0, 256], sizes = [512, 128], strides = [1, 1]} : vector<512x1024xf32> to vector<512x128xf32>
    %lt3A_449 = arith.cmpf olt, %slice3A_448, %select_n3A_444 : vector<512x128xf32>
    %select_n3A_450 = arith.select %lt3A_449, %slice3A_448, %select_n3A_444 : vector<512x128xi1>, vector<512x128xf32>
    %jit3A_451 = arith.constant 58 : i32
    %broadcast_in_dim3A_452 = vector.broadcast %jit3A_451 : i32 to vector<512x128xi32>
    %select_n3A_453 = arith.select %lt3A_449, %broadcast_in_dim3A_452, %select_n3A_447 : vector<512x128xi1>, vector<512x128xi32>
    %slice3A_454 = vector.extract_strided_slice %add3A_435 {offsets = [0, 384], sizes = [512, 128], strides = [1, 1]} : vector<512x1024xf32> to vector<512x128xf32>
    %lt3A_455 = arith.cmpf olt, %slice3A_454, %select_n3A_450 : vector<512x128xf32>
    %select_n3A_456 = arith.select %lt3A_455, %slice3A_454, %select_n3A_450 : vector<512x128xi1>, vector<512x128xf32>
    %jit3A_457 = arith.constant 59 : i32
    %broadcast_in_dim3A_458 = vector.broadcast %jit3A_457 : i32 to vector<512x128xi32>
    %select_n3A_459 = arith.select %lt3A_455, %broadcast_in_dim3A_458, %select_n3A_453 : vector<512x128xi1>, vector<512x128xi32>
    %slice3A_460 = vector.extract_strided_slice %add3A_435 {offsets = [0, 512], sizes = [512, 128], strides = [1, 1]} : vector<512x1024xf32> to vector<512x128xf32>
    %lt3A_461 = arith.cmpf olt, %slice3A_460, %select_n3A_456 : vector<512x128xf32>
    %select_n3A_462 = arith.select %lt3A_461, %slice3A_460, %select_n3A_456 : vector<512x128xi1>, vector<512x128xf32>
    %jit3A_463 = arith.constant 60 : i32
    %broadcast_in_dim3A_464 = vector.broadcast %jit3A_463 : i32 to vector<512x128xi32>
    %select_n3A_465 = arith.select %lt3A_461, %broadcast_in_dim3A_464, %select_n3A_459 : vector<512x128xi1>, vector<512x128xi32>
    %slice3A_466 = vector.extract_strided_slice %add3A_435 {offsets = [0, 640], sizes = [512, 128], strides = [1, 1]} : vector<512x1024xf32> to vector<512x128xf32>
    %lt3A_467 = arith.cmpf olt, %slice3A_466, %select_n3A_462 : vector<512x128xf32>
    %select_n3A_468 = arith.select %lt3A_467, %slice3A_466, %select_n3A_462 : vector<512x128xi1>, vector<512x128xf32>
    %jit3A_469 = arith.constant 61 : i32
    %broadcast_in_dim3A_470 = vector.broadcast %jit3A_469 : i32 to vector<512x128xi32>
    %select_n3A_471 = arith.select %lt3A_467, %broadcast_in_dim3A_470, %select_n3A_465 : vector<512x128xi1>, vector<512x128xi32>
    %slice3A_472 = vector.extract_strided_slice %add3A_435 {offsets = [0, 768], sizes = [512, 128], strides = [1, 1]} : vector<512x1024xf32> to vector<512x128xf32>
    %lt3A_473 = arith.cmpf olt, %slice3A_472, %select_n3A_468 : vector<512x128xf32>
    %select_n3A_474 = arith.select %lt3A_473, %slice3A_472, %select_n3A_468 : vector<512x128xi1>, vector<512x128xf32>
    %jit3A_475 = arith.constant 62 : i32
    %broadcast_in_dim3A_476 = vector.broadcast %jit3A_475 : i32 to vector<512x128xi32>
    %select_n3A_477 = arith.select %lt3A_473, %broadcast_in_dim3A_476, %select_n3A_471 : vector<512x128xi1>, vector<512x128xi32>
    %slice3A_478 = vector.extract_strided_slice %add3A_435 {offsets = [0, 896], sizes = [512, 128], strides = [1, 1]} : vector<512x1024xf32> to vector<512x128xf32>
    %lt3A_479 = arith.cmpf olt, %slice3A_478, %select_n3A_474 : vector<512x128xf32>
    %select_n3A_480 = arith.select %lt3A_479, %slice3A_478, %select_n3A_474 : vector<512x128xi1>, vector<512x128xf32>
    %jit3A_481 = arith.constant 63 : i32
    %broadcast_in_dim3A_482 = vector.broadcast %jit3A_481 : i32 to vector<512x128xi32>
    %select_n3A_483 = arith.select %lt3A_479, %broadcast_in_dim3A_482, %select_n3A_477 : vector<512x128xi1>, vector<512x128xi32>
    %reduce_min3A = arith.constant dense<0x7F800000> : vector<512xf32>
    %reduce_min3A_484 = vector.multi_reduction <minimumf>, %select_n3A_480, %reduce_min3A [1] : vector<512x128xf32> to vector<512xf32>
    %broadcast_in_dim3A_485 = vector.shape_cast %reduce_min3A_484 : vector<512xf32> to vector<512x1xf32>
    %iota3A = tpu.iota {dimensions = array<i32: 1>} : vector<512x128xi32>
    %mul3A_486 = arith.constant 128 : i32
    %mul3A_487 = vector.broadcast %mul3A_486 : i32 to vector<512x128xi32>
    %mul3A_488 = arith.muli %select_n3A_483, %mul3A_487 : vector<512x128xi32>
    %add3A_489 = arith.addi %mul3A_488, %iota3A : vector<512x128xi32>
    %eq3A = vector.broadcast %broadcast_in_dim3A_485 : vector<512x1xf32> to vector<512x128xf32>
    %eq3A_490 = arith.cmpf oeq, %select_n3A_480, %eq3A : vector<512x128xf32>
    %jit3A_491 = arith.constant 2147483647 : i32
    %broadcast_in_dim3A_492 = vector.broadcast %jit3A_491 : i32 to vector<512x128xi32>
    %select_n3A_493 = arith.select %eq3A_490, %add3A_489, %broadcast_in_dim3A_492 : vector<512x128xi1>, vector<512x128xi32>
    %reduce_min3A_494 = arith.constant dense<2147483647> : vector<512xi32>
    %reduce_min3A_495 = vector.multi_reduction <minsi>, %select_n3A_493, %reduce_min3A_494 [1] : vector<512x128xi32> to vector<512xi32>
    %reshape3A = vector.shape_cast %reduce_min3A_495 : vector<512xi32> to vector<1x1x512xi32>
    %swap3A = arith.constant 0 : index
    %swap3A_496 = arith.constant 0 : index
    %swap3A_497 = arith.constant 0 : index
    %swap3A_498 = vector.load %arg5[%swap3A, %swap3A_496, %swap3A_497] : memref<1x1x512xi32, #tpu.memory_space<vmem>>, vector<1x1x512xi32>
    tpu.vector_store %arg5[%swap3A, %swap3A_496, %swap3A_497], %reshape3A {strides = array<i32>} : memref<1x1x512xi32, #tpu.memory_space<vmem>>, vector<1x1x512xi32>,
    %eq3A_499 = arith.constant 0 : i32
    %eq3A_500 = arith.cmpi eq, %arg0, %eq3A_499 : i32
    %convert_element_type3A_501 = arith.extui %eq3A_500 : i1 to i32
    %cond3A = arith.constant 0 : i32
    %cond3A_502 = arith.cmpi ne, %convert_element_type3A_501, %cond3A : i32
    scf.if %cond3A_502 {
      %broadcast_in_dim3A_515 = arith.constant 0.000000e+00 : f32
      %broadcast_in_dim3A_516 = vector.broadcast %broadcast_in_dim3A_515 : f32 to vector<1x1xf32>
      %swap3A_517 = arith.constant 0 : index
      %swap3A_518 = arith.constant 0 : index
      %swap3A_519 = vector.load %arg6[%swap3A_517, %swap3A_518] : memref<1x1xf32, #tpu.memory_space<vmem>>, vector<1x1xf32>
      tpu.vector_store %arg6[%swap3A_517, %swap3A_518], %broadcast_in_dim3A_516 {strides = array<i32>} : memref<1x1xf32, #tpu.memory_space<vmem>>, vector<1x1xf32>,
    } else {
    }
    %get3A_503 = arith.constant 0 : index
    %get3A_504 = arith.constant 0 : index
    %get3A_505 = vector.load %arg6[%get3A_503, %get3A_504] : memref<1x1xf32, #tpu.memory_space<vmem>>, vector<1x1xf32>
    %reduce_sum3A = vector.shape_cast %broadcast_in_dim3A_485 : vector<512x1xf32> to vector<1x512x1xf32>
    %reduce_sum3A_506 = arith.constant dense<0.000000e+00> : vector<1xf32>
    %reduce_sum3A_507 = vector.multi_reduction <add>, %reduce_sum3A, %reduce_sum3A_506 [1, 2] : vector<1x512x1xf32> to vector<1xf32>
    %reduce_sum3A_508 = vector.shape_cast %reduce_sum3A_507 : vector<1xf32> to vector<1x1x1xf32>
    %reduce_sum3A_509 = vector.extract %reduce_sum3A_508[0, 0, 0] : f32 from vector<1x1x1xf32>
    %reshape3A_510 = vector.broadcast %reduce_sum3A_509 : f32 to vector<1x1xf32>
    %add3A_511 = arith.addf %get3A_505, %reshape3A_510 : vector<1x1xf32>
    %swap3A_512 = arith.constant 0 : index
    %swap3A_513 = arith.constant 0 : index
    %swap3A_514 = vector.load %arg6[%swap3A_512, %swap3A_513] : memref<1x1xf32, #tpu.memory_space<vmem>>, vector<1x1xf32>
    tpu.vector_store %arg6[%swap3A_512, %swap3A_513], %add3A_511 {strides = array<i32>} : memref<1x1xf32, #tpu.memory_space<vmem>>, vector<1x1xf32>,
    return
  }
  func.func @transform_0(%arg0: i32) -> (i32, i32) {
    %c0_i32 = arith.constant 0 : i32
    %c0_i32_0 = arith.constant 0 : i32
    return %arg0, %c0_i32 : i32, i32
  }
  func.func @transform_1(%arg0: i32) -> (i32, i32) {
    %c0_i32 = arith.constant 0 : i32
    %c0_i32_0 = arith.constant 0 : i32
    %c0_i32_1 = arith.constant 0 : i32
    return %c0_i32, %c0_i32_0 : i32, i32
  }
  func.func @transform_2(%arg0: i32) -> (i32, i32) {
    %c0_i32 = arith.constant 0 : i32
    %c0_i32_0 = arith.constant 0 : i32
    return %arg0, %c0_i32 : i32, i32
  }
  func.func @transform_3(%arg0: i32) -> (i32, i32) {
    %c0_i32 = arith.constant 0 : i32
    %c0_i32_0 = arith.constant 0 : i32
    %c0_i32_1 = arith.constant 0 : i32
    return %c0_i32, %c0_i32_0 : i32, i32
  }
  func.func @transform_4(%arg0: i32) -> (i32, i32, i32) {
    %c0_i32 = arith.constant 0 : i32
    %c0_i32_0 = arith.constant 0 : i32
    %c0_i32_1 = arith.constant 0 : i32
    return %arg0, %c0_i32, %c0_i32_0 : i32, i32, i32
  }
  func.func @transform_5(%arg0: i32) -> (i32, i32) {
    %c0_i32 = arith.constant 0 : i32
    %c0_i32_0 = arith.constant 0 : i32
    %c0_i32_1 = arith.constant 0 : i32
    return %c0_i32, %c0_i32_0 : i32, i32
  }
}

</mosaic_0001>

<sc_bundles>
// kernel: kernel.4.cloned.1.call-start
scs
__scs_entry_jumppad:
0x0: {  	(pc) =	sbr.rel $0x88, $3  }
0x1: {  	(tag) =	ssettag $0x0;
	lr =	simm.s32 $0x1  }
0x2: {  	[smem:$0x3F9F] =	sst lr;
	_ =	strace $0xD0000000  }
0x3: {  	_ = 	snop  }
0x4: {  	_ = 	snop  }
0x5: {  	_ = 	snop  }
0x6: {  	_ = 	snop  }
0x7: {  	_ = 	snop  }
__scs_overlays_trampoline_lowered:
0x8: {  	[smem:$0x3FAE] =	sst s0  }
0x9: {  	[smem:$0x3FAF] =	sst s1  }
0xa: {  	[smem:$0x3FB0] =	sst s2  }
0xb: {  	[smem:$0x3FB1] =	sst s3  }
0xc: {  	[smem:$0x3FB2] =	sst s4  }
0xd: {  	[smem:$0x3FB3] =	sst s5  }
0xe: {  	[smem:$0x3FB4] =	sst s6  }
0xf: {  	[smem:$0x3FB5] =	sst s7  }
0x10: {  	[smem:$0x3FB6] =	sst s8  }
0x11: {  	[smem:$0x3FB7] =	sst s9;
	s0 =	simm.s32 @!p0 $0x0  }
0x12: {  	s1 =	sld [smem:$0x3F9D];
	s0 =	simm.s32 @p0 $0x1  }
0x13: {  	[smem:$0x3FB8] =	sst s0;
	s0 =	simm.s32 @!p1 $0x0  }
0x14: {  	s2 =	sld [smem:$0x3F9C];
	s0 =	simm.s32 @p1 $0x1  }
0x15: {  	[smem:$0x3FB9] =	sst s0;
	s0 =	simm.s32 @!p2 $0x0  }
0x16: {  	s3 =	sld [smem:$0x3FDB];
	s0 =	simm.s32 @p2 $0x1  }
0x17: {  	s4 =	simm.s32 $0x1BF5;
	[smem:$0x3FBB] =	sst s0  }
0x18: {  	s0 =	sld [smem:$0x3F9E];
	_ =	swait.ge [sflag:s4], $0x0  }
0x19: {  	s7 =	sld [smem:$0x3F9F]  }
0x1a: {  	s8 =	sadd.s32 $0xFFFFE003, lr  }
0x1b: {  	s9 =	sadd.s32 $0xFFFFFEF7, lr;
	s5 =	simm.s32 $0xFFFFFFFF;
	p2 =	slt.u32 s8, $0xFFFFF086  }
0x1c: {  	p1 =	slt.u32 s9, $0xF7A;
	s5 =	simm.s32 @!p2 $0x0  }
0x1d: {  	s5 =	simm.s32 @p1 $0x1;
	p0 =	seq.s32 s7, s2  }
0x1e: {  	s7 =	smul.u32 @!p0 $0xF7A, s2;
	p2 =	seq.s32 @!p0 s5, $0x0  }
0x1f: {  	s9 =	smul.u32 $0xF7A, s1;
	s8 =	simm.s32 @!p0 $0x1BF5;
	p2 =	por !p2, p0  }
0x20: {  	[sflag:s8] =	ssyncset.s32 @!p0 $0xFFFFF086;
	s6 =	sadd.s32 @!p0 s3, s7;
	s7 =	simm.s32 @!p0 $0x108  }
0x21: {  	s3 =	sadd.s32 s3, s9;
	s6 =	sadd.s32 @!p0 $0x88, s6;
	s7 =	simm.s32 @p2 $0x1082  }
0x22: {  	[simem:s7], [sflag:s8] =	dma.local @!p0 [hbm:s6], $0xF7A  }
0x23: {  	s9 =	sor.u32 $0xD0000000, s2;
	s6 =	simm.s32 $0x108;
	_ =	swait.ge @!p0 [sflag:s8], $0x0  }
0x24: {  	s3 =	sadd.s32 $0x88, s3;
	s6 =	simm.s32 @!p1 $0x1082;
	[sflag:s4] =	ssyncset.s32 $0xFFFFF086  }
0x25: {  	[simem:s6], [sflag:s4] =	dma.local [hbm:s3], $0xF7A  }
0x26: {  	[smem:$0x3F9F] =	sst s1;
	(tag) =	ssettag s2;
	_ =	strace s9  }
0x27: {  	s1 =	sld [smem:$0x3FAF]  }
0x28: {  	s2 =	sld [smem:$0x3FB0]  }
0x29: {  	s4 =	sld [smem:$0x3FB2]  }
0x2a: {  	p0 =	seq.s32 s5, $0x0;
	s5 =	sld [smem:$0x3FB3]  }
0x2b: {  	s6 =	sld [smem:$0x3FB4]  }
0x2c: {  	s7 =	sld [smem:$0x3FB5]  }
0x2d: {  	s3 =	simm.s32 $0x108;
	s8 =	sld [smem:$0x3FB6]  }
0x2e: {  	s3 =	simm.s32 @!p0 $0x1082;
	s9 =	sld [smem:$0x3FB7]  }
0x2f: {  	lr =	sadd.s32 s0, s3;
	s0 =	sld [smem:$0x3FAE]  }
0x30: {  	s3 =	sld [smem:$0x3FB1]  }
0x31: {  	[smem:$0x3FBA] =	sst s10  }
0x32: {  	s10 =	sld [smem:$0x3FB8];
	_ =	sdelay $0x3  }
0x33: {  	p0 =	seq.s32 s10, $0x1;
	s10 =	sld [smem:$0x3FBA];
	_ =	sdelay $0x3  }
0x34: {  	[smem:$0x3FBA] =	sst s10  }
0x35: {  	s10 =	sld [smem:$0x3FB9];
	_ =	sdelay $0x3  }
0x36: {  	p1 =	seq.s32 s10, $0x1;
	s10 =	sld [smem:$0x3FBA];
	_ =	sdelay $0x3  }
0x37: {  	[smem:$0x3FBA] =	sst s10  }
0x38: {  	s10 =	sld [smem:$0x3FBB]  }
0x39: {  	_ = 	snop;
	(pc) =	sbr.ind lr, $3  }
0x3a: {  	_ = 	snop  }
0x3b: {  	_ = 	snop  }
0x3c: {  	p2 =	seq.s32 s10, $0x1;
	s10 =	sld [smem:$0x3FBA]  }
0x3d: {  	_ =	shalt  }
0x3e: {  	_ =	shalt  }
0x3f: {  	_ =	shalt  }
0x40: {  	_ =	shalt  }
0x41: {  	_ =	shalt  }
0x42: {  	_ =	shalt  }
0x43: {  	_ =	shalt  }
0x44: {  	_ =	shalt  }
0x45: {  	_ =	shalt  }
0x46: {  	_ =	shalt  }
0x47: {  	_ =	shalt  }
0x48: {  	_ =	shalt  }
0x49: {  	_ =	shalt  }
0x4a: {  	_ =	shalt  }
0x4b: {  	_ =	shalt  }
0x4c: {  	_ =	shalt  }
0x4d: {  	_ =	shalt  }
0x4e: {  	_ =	shalt  }
0x4f: {  	_ =	shalt  }
0x50: {  	_ =	shalt  }
0x51: {  	_ =	shalt  }
0x52: {  	_ =	shalt  }
0x53: {  	_ =	shalt  }
0x54: {  	_ =	shalt  }
0x55: {  	_ =	shalt  }
0x56: {  	_ =	shalt  }
0x57: {  	_ =	shalt  }
0x58: {  	_ =	shalt  }
0x59: {  	_ =	shalt  }
0x5a: {  	_ =	shalt  }
0x5b: {  	_ =	shalt  }
0x5c: {  	_ =	shalt  }
0x5d: {  	_ =	shalt  }
0x5e: {  	_ =	shalt  }
0x5f: {  	_ =	shalt  }
0x60: {  	_ =	shalt  }
0x61: {  	_ =	shalt  }
0x62: {  	_ =	shalt  }
0x63: {  	_ =	shalt  }
0x64: {  	_ =	shalt  }
0x65: {  	_ =	shalt  }
0x66: {  	_ =	shalt  }
0x67: {  	_ =	shalt  }
0x68: {  	_ =	shalt  }
0x69: {  	_ =	shalt  }
0x6a: {  	_ =	shalt  }
0x6b: {  	_ =	shalt  }
0x6c: {  	_ =	shalt  }
0x6d: {  	_ =	shalt  }
0x6e: {  	_ =	shalt  }
0x6f: {  	_ =	shalt  }
0x70: {  	_ =	shalt  }
0x71: {  	_ =	shalt  }
0x72: {  	_ =	shalt  }
0x73: {  	_ =	shalt  }
0x74: {  	_ =	shalt  }
0x75: {  	_ =	shalt  }
0x76: {  	_ =	shalt  }
0x77: {  	_ =	shalt  }
0x78: {  	_ =	shalt  }
0x79: {  	_ =	shalt  }
0x7a: {  	_ =	shalt  }
0x7b: {  	_ =	shalt  }
0x7c: {  	_ =	shalt  }
0x7d: {  	_ =	shalt  }
0x7e: {  	_ =	shalt  }
0x7f: {  	_ =	shalt  }
0x80: {  	_ =	shalt  }
0x81: {  	_ =	shalt  }
0x82: {  	_ =	shalt  }
0x83: {  	_ =	shalt  }
0x84: {  	_ =	shalt  }
0x85: {  	_ =	shalt  }
0x86: {  	_ =	shalt  }
0x87: {  	_ =	shalt  }
.Lfunc_end0:
.L_simem_size_0:
called_computation_lowered:
.L_overlay_start_0:
0x88: {  	s2 =	sld [smem:$0x3FD9]  }
0x89: {  	s3 =	sld [smem:$0x3FFE];
	_ =	sdelay $0x1  }
0x8a: {  	s1 =	srdreg.scid  }
0x8b: {  	s0 =	sand.u32 $0x1, s1  }
0x8c: {  	s14 =	sshll.u32 s0, $0xA;
	s2 =	sadd.s32 s3, s2  }
0x8d: {  	s2 =	sadd.s32 s2, s14  }
0x8e: {  	[smem:$0x3FC6] =	sst s2  }
0x8f: {  	_ = 	snop  }
0x90: {  	s2 =	sld [smem:$0x3FD0];
	_ =	sdelay $0x2  }
0x91: {  	s15 =	simm.s32 $0xA;
	s4 =	simm.s32 $0x10  }
0x92: {  	[smem:s4], [sflag:s15] =	dma.local [hbm:s2], $0x1  }
0x93: {  	_ =	swait.eq [sflag:s15], $0x1  }
0x94: {  	[sflag:s15] =	ssyncset.done $0x0  }
0x95: {  	[sflag:s15] =	ssyncadd.s32 $0xFFFFFFFF  }
0x96: {  	s16 =	sld [smem:$0x10];
	(tm) =	ssettm $0x1  }
0x97: {  	s17 =	sld [smem:$0x3FFB];
	_ =	sdelay $0x3  }
0x98: {  	_ =	strace s17  }
0x99: {  	s3 =	sld [smem:$0x3FFC];
	_ =	sdelay $0x3  }
0x9a: {  	_ =	strace s3  }
0x9b: {  	s3 =	sld [smem:$0x3FFD];
	_ =	sdelay $0x3  }
0x9c: {  	_ =	strace s3  }
0x9d: {  	_ =	strace $0x8FFFFFFF  }
0x9e: {  	s18 =	sld [smem:$0x3FDB];
	_ =	sdelay $0x1  }
0x9f: {  	s19 =	simm.s32 $_scs_section_size  }
0xa0: {  	s5 =	simm.s32 $_size__tile_overlayer_lowered;
	s6 =	simm.s32 $_tile_overlayer_lowered  }
0xa1: {  	s22 =	simm.s32 $0x1BFF;
	s21 =	sshll.u32 s6, $0x1;
	s3 =	sadd.s32 s19, s18  }
0xa2: {  	s7 =	simm.s32 $0x0;
	s20 =	sshll.u32 s5, $0x1;
	s5 =	sadd.s32 s21, s3  }
0xa3: {  	[timem:s7], [sflag:s22] =	dma.local [hbm:s5], s20  }
0xa4: {  	_ =	swait.ge [sflag:s22], s20  }
0xa5: {  	s4 =	ssub.s32 $0x0, s20;
	[sflag:s22] =	ssyncset.done $0x0  }
0xa6: {  	[sflag:s22] =	ssyncadd.s32 s4;
	_ =	sdelay $0x1  }
0xa7: {  	s23 =	simm.s32 $0x1B8B  }
0xa8: {  	_ =	swait.ge [sflag:s23], $0x1  }
0xa9: {  	[sflag:s23] =	ssyncset.done $0x0  }
0xaa: {  	s25 =	simm.s32 $0x1B8E;
	s24 =	sld [smem:$0x3FFE];
	[sflag:s23] =	ssyncadd.s32 $0xFFFFFFFF  }
0xab: {  	s26 =	simm.s32 $execute0_lowered;
	[smem:$0x3FD2] =	sst s25  }
0xac: {  	s5 =	sshll.u32 s26, $0x1;
	_ =	strace $0x80000046;
	[dreg:$0x1] =	wrdreg $0xFFFFFFFF  }
0xad: {  	s28 =	simm.s32 $_size_execute0_lowered;
	s3 =	sadd.s32 s3, s5;
	[dreg:$0x0] =	wrdreg $0x0  }
0xae: {  	s5 =	sshll.u32 s28, $0x1;
	[dreg:$0x2] =	wrdreg s3  }
0xaf: {  	[dreg:$0x3] =	wrdreg s5  }
0xb0: {  	[dreg:$0x4] =	wrdreg $0xC0  }
0xb1: {  	_ =	task [dreg:s7], $0x5FFFF  }
0xb2: {  	[dreg:$0x1] =	wrdreg $0xFFFFFFFF  }
0xb3: {  	[dreg:$0x0] =	wrdreg $0x60  }
0xb4: {  	[dreg:$0x2] =	wrdreg s24  }
0xb5: {  	[dreg:$0x3] =	wrdreg s16  }
0xb6: {  	[dreg:$0x4] =	wrdreg $0x9  }
0xb7: {  	_ =	task.clear_ibuf [dreg:s7], $0x5FFFF;
	_ =	strace $0x90000046  }
0xb8: {  	s29 =	simm.s32 $0x9;
	_ =	strace $0x80000048  }
0xb9: {  	_ =	swait.ge [sflag:s29], $0x1  }
0xba: {  	[sflag:s29] =	ssyncadd.s32 $0xFFFFFFFF  }
0xbb: {  	_ =	strace $0x90000048  }
0xbc: {  	_ =	sfence  }
0xbd: {  	s30 =	sld [smem:$0x0];
	_ =	sdelay $0x2  }
0xbe: {  	s31 =	sshll.u32 s1, $0xD;
	s1 =	sshrl.u32 s1, $0x2  }
0xbf: {  	s3 =	sand.u32 $0x4000, s31;
	s1 =	sadd.s32 s1, s30  }
0xc0: {  	s0 =	sor.u32 s3, s0;
	s1 =	sshll.u32 s1, $0x11  }
0xc1: {  	s0 =	sor.u32 s1, s0  }
0xc2: {  	s0 =	sadd.s32 $0x8F2B, s0  }
0xc3: {  	[sflag:s0] =	ssyncadd.remote.s32 $0x1  }
0xc4: {  	_ =	sfence.sel $0xFFFF  }
0xc5: {  	[dreg:$0x0] =	wrdreg $0xFFFFFFFF;
	(pc) =	sbr.abs _section_cstart, $3  }
0xc6: {  	[dreg:$0x1] =	wrdreg $0xFFFFFFFF  }
0xc7: {  	_ =	task.clear_ibuf [dreg:s7], $0x2FFFF;
	_ =	strace $0x9FFFFFFF  }
0xc8: {  	(tm) =	ssettm $0x7FFFFFFF  }
0xc9: {  	_ =	shalt  }
tec
execute0_lowered:
.L_overlay_start_1:
0x0: {  	(tag) =	ssettag $0x1  }
0x1: {  	s1 =	srdreg.scid;
	s0 =	stileid.u32  }
0x2: {  	s5 =	rddreg [dreg:$0x0];
	s6 =	sand.u32 $0x1, s1;
	s30 =	sshll.u32 s0, $0x1  }
0x3: {  	s8 =	rddreg [dreg:$0x1];
	s2 =	simm.s32 $0x0;
	s9 =	sor.u32 s6, s30  }
0x4: {  	[smem:$0x7FF] =	sst s2;
	s3 =	smul.u32 $0x48, s9  }
0x5: {  	s1 =	rddreg [dreg:$0x2];
	_ =	strace $0x80000047  }
0x6: {  	s10 =	ssub.s32 $0x2, s6;
	s4 =	sadd.s32 s5, s3;
	s3 =	simm.s32 $0x2  }
0x7: {  	[tilespmem:s2], [sflag:$0x2] =	stream.linear.gather [hbm4b:s4+s2], $0x240, $0x38;
	[tilespmem:$0x9240] =	vst v63  }
0x8: {  	s7 =	simm.s32 $0x1;
	s11 =	sshrl.u32 s10, $0x1;
	_ =	swait.ge [sflag:s3], $0x240  }
0x9: {  	s6 =	simm.s32 $0x240;
	s10 =	ssub.s32 s10, s11;
	[sflag:s3] =	ssyncset.done $0x0  }
0xa: {  	s5 =	sadd.s32 $0x48000, s5;
	s31 =	smax.u32 s10, $0x1;
	[sflag:s3] =	ssyncadd.s32 $0xFFFFFDC0  }
0xb: {  	[tilespmem:s6], [sflag:$0x1] =	stream.indirect.gather [hbm4b:s5+s6], $0x40, s2, s6, $0xb8;
	[tilespmem:$0x9240] =	vst v63  }
0xc: {  	s9 =	smul.u32 $0x1200, s9;
	p0 =	sne.s32 s31, $0x1;
	_ =	swait.ge [sflag:s7], $0x9000  }
.Ltmp0:
0xd: {  	[sflag:s7] =	ssyncset.done $0x0;
	(pc) =	sbr.rel @!p0 .LBB2_2-.Ltmp0, $4  }
0xe: {  	s8 =	sadd.s32 s8, s9;
	[sflag:s7] =	ssyncadd.s32 $0xFFFF7000  }
0xf: {  	[hbm4b:s8+s2] =	stream.linear.scatter [tilespmem:s6], [sflag:$0x2], $0x9000, $0x38;
	[tilespmem:$0x9240] =	vst v63  }
0x10: {  	_ =	swait.ge [sflag:s3], $0x9000  }
0x11: {  	s9 =	sadd.s32 $0xFFFFFFFF, s31;
	[sflag:s3] =	ssyncset.done $0x0  }
.LBB2_1:
0x12: {  	p0 =	sne.s32 s9, $0x1;
	s9 =	sadd.s32 $0xFFFFFFFF, s9;
	[sflag:s3] =	ssyncadd.s32 $0xFFFF7000  }
0x13: {  	[tilespmem:s2], [sflag:$0x2] =	stream.linear.gather [hbm4b:s4+s2], $0x240, $0x38;
	[tilespmem:$0x9240] =	vst v63  }
0x14: {  	_ =	swait.ge [sflag:s3], $0x240  }
0x15: {  	[sflag:s3] =	ssyncset.done $0x0  }
0x16: {  	[sflag:s3] =	ssyncadd.s32 $0xFFFFFDC0  }
0x17: {  	[tilespmem:s6], [sflag:$0x1] =	stream.indirect.gather [hbm4b:s5+s6], $0x40, s2, s6, $0xb8;
	[tilespmem:$0x9240] =	vst v63  }
0x18: {  	_ =	swait.ge [sflag:s7], $0x9000  }
.Ltmp1:
0x19: {  	[sflag:s7] =	ssyncset.done $0x0;
	(pc) =	sbr.rel @p0 .LBB2_1-.Ltmp1, $4  }
0x1a: {  	[sflag:s7] =	ssyncadd.s32 $0xFFFF7000  }
0x1b: {  	[hbm4b:s8+s2] =	stream.linear.scatter [tilespmem:s6], [sflag:$0x2], $0x9000, $0x38;
	[tilespmem:$0x9240] =	vst v63  }
0x1c: {  	_ =	swait.ge [sflag:s3], $0x9000  }
0x1d: {  	[sflag:s3] =	ssyncset.done $0x0  }
.LBB2_2:
0x1e: {  	[sflag:s3] =	ssyncadd.s32 $0xFFFF7000  }
0x1f: {  	_ =	sfence.sel $0x180000  }
0x20: {  	[bflag:$0x0] =	sbarrier.arrive $0xFFFF  }
0x21: {  	p0 =	sne.s32 s0, $0x0;
	_ =	strace $0x90000047  }
0x22: {  	s0 =	sadd.s32 @!p0 $0x100000, s1;
	[bflag:$0x2] =	sbarrier.arrive $0xFFFF  }
0x23: {  	[sflag:s0] =	ssyncadd.tile.s32 @!p0 $0x1;
	_ =	shalt  }
.Lfunc_end2:
_tile_overlayer_lowered:
.L_overlay_start_2:
0x24: {  	(tag) =	ssettag $0x2  }
0x25: {  	s0 =	rddreg [dreg:$0x0];
	s2 =	stileid.u32  }
0x26: {  	s1 =	rddreg [dreg:$0x1];
	p0 =	sne.s32 s2, $0x0  }
0x27: {  	s3 =	rddreg [dreg:$0x2];
	[bflag:$0x3] =	sbarrier.arrive $0xFFFF;
	s2 =	simm.s32 @!p0 $0x1C02  }
0x28: {  	[timem:s3], [sflag:s2] =	dma.local @!p0 [hbm:s0], s1  }
0x29: {  	s0 =	simm.s32 @!p0 $0x2  }
0x2a: {  	_ =	swait.ge @!p0 [sflag:s0], s1  }
0x2b: {  	s1 =	ssub.s32 @!p0 $0x0, s1;
	[sflag:s0] =	ssyncset.done @!p0 $0x0  }
0x2c: {  	[sflag:s0] =	ssyncadd.s32 @!p0 s1  }
0x2d: {  	[bflag:$0x3] =	sbarrier.arrive $0xFFFF  }
0x2e: {  	_ =	shalt  }

</sc_bundles>
